<compile_context>
chip_gen: v7x
topology: tpu7x:2x2x1
jax: 0.10.2.dev20260603
libtpu: 0.0.44.dev20260713+nightly
codegen_flags: <defaults>
</compile_context>

<pallas_src>
import functools

import jax
import jax.numpy as jnp
from jax import lax
from jax.experimental import pallas as pl
from jax.experimental.pallas import tpu as pltpu
from jax.experimental.pallas import tpu_sc as plsc

N_POINTS = 320000
D = 128
V = 10000
NC = 2
NS = 16
HALF = V // NC
VPL = 5120
ROWS_PER_TILE = N_POINTS // NS
CHUNK = 80
CHUNKS_PER_TILE = ROWS_PER_TILE // CHUNK
V_PER_TILE = VPL // NS
V_STEPS = V_PER_TILE // CHUNK
CW = 128
L = 16
NB = 3


def _sc_partial_sums(features, index, zero_rows, ones_blk):
    mesh = plsc.VectorSubcoreMesh(core_axis_name="c", subcore_axis_name="s")

    @functools.partial(
        pl.kernel,
        out_type=(
            jax.ShapeDtypeStruct((NC * VPL, D), jnp.float32),
            jax.ShapeDtypeStruct((NC * VPL, CW), jnp.float32),
        ),
        mesh=mesh,
        scratch_types=(
            [pltpu.VMEM((CHUNK, D), jnp.float32) for _ in range(NB)],
            [pltpu.VMEM((CHUNK,), jnp.int32) for _ in range(NB)],
            pltpu.VMEM((CHUNK, CW), jnp.float32),
            pltpu.VMEM_SHARED((VPL, D), jnp.float32),
            pltpu.VMEM_SHARED((VPL, CW), jnp.float32),
            [pltpu.SemaphoreType.DMA for _ in range(NB)],
            [pltpu.SemaphoreType.DMA for _ in range(NB)],
        ),
    )
    def body(feat_hbm, idx_hbm, zr_hbm, ones_hbm, sums_out, cnts_out,
             rows, idx, ones_v, acc_s, cacc_s, sem_f, sem_s):
        c = lax.axis_index("c")
        s = lax.axis_index("s")
        v0 = s * V_PER_TILE
        half_base = c * HALF

        pltpu.sync_copy(zr_hbm, rows[0])
        pltpu.sync_copy(ones_hbm, ones_v)
        for j in range(V_STEPS):
            pltpu.sync_copy(rows[0], acc_s.at[pl.ds(v0 + j * CHUNK, CHUNK)])
            pltpu.sync_copy(rows[0], cacc_s.at[pl.ds(v0 + j * CHUNK, CHUNK)])
        plsc.subcore_barrier()

        def chunk_slice(k):
            row0 = lax.min(s * ROWS_PER_TILE + k * CHUNK, N_POINTS - CHUNK)
            return pl.ds(row0, CHUNK)

        def fetch(k, b):
            sl = chunk_slice(k)
            pltpu.async_copy(feat_hbm.at[sl], rows[b], sem_f[b])
            pltpu.async_copy(idx_hbm.at[sl], idx[b], sem_f[b])

        def wait_fetch(k, b):
            sl = chunk_slice(k)
            pltpu.make_async_copy(feat_hbm.at[sl], rows[b], sem_f[b]).wait()
            pltpu.make_async_copy(idx_hbm.at[sl], idx[b], sem_f[b]).wait()

        def drain_scatter(b):
            pltpu.make_async_copy(rows[b], acc_s.at[idx[b]], sem_s[b]).wait()

        def stage(kk, b, drain_b):
            wait_fetch(kk, b)
            for j in range(CHUNK // L):
                raw = idx[b][pl.ds(j * L, L)]
                local = raw - half_base
                ok = (local >= 0) & (local < HALF)
                idx[b][pl.ds(j * L, L)] = jnp.where(ok, local, HALF)
            if drain_b is not None:
                drain_scatter(drain_b)
            fetch(kk + 1, (b + 1) % NB)
            pltpu.async_copy(rows[b], acc_s.at[idx[b]], sem_s[b], add=True)

        fetch(0, 0)
        stage(0, 0, None)
        stage(1, 1, None)

        def chunk_body(t, carry):
            kk = 2 + 3 * t
            stage(kk, 2, 0)
            stage(kk + 1, 0, 1)
            stage(kk + 2, 1, 2)
            return carry

        lax.fori_loop(0, (CHUNKS_PER_TILE - 4) // 3, chunk_body, 0)
        stage(CHUNKS_PER_TILE - 2, 2, 0)
        stage(CHUNKS_PER_TILE - 1, 0, 1)
        drain_scatter(2)
        drain_scatter(0)
        wait_fetch(CHUNKS_PER_TILE, 1)
        plsc.subcore_barrier()

        for j in range(V_STEPS):
            src0 = v0 + j * CHUNK
            dst0 = c * VPL + v0 + j * CHUNK
            pltpu.sync_copy(acc_s.at[pl.ds(src0, CHUNK)], rows[0])
            pltpu.sync_copy(rows[0], sums_out.at[pl.ds(dst0, CHUNK)])
            pltpu.sync_copy(cacc_s.at[pl.ds(src0, CHUNK)], rows[1])
            pltpu.sync_copy(rows[1], cnts_out.at[pl.ds(dst0, CHUNK)])

    return body(features, index, zero_rows, ones_blk)


def _combine_body(sums_ref, cnts_ref, out_ref):
    total = jnp.concatenate(
        [sums_ref[0:HALF], sums_ref[VPL:VPL + HALF]], axis=0)
    cnt = jnp.concatenate(
        [cnts_ref[0:HALF, 0], cnts_ref[VPL:VPL + HALF, 0]], axis=0)
    out_ref[...] = total / jnp.clip(cnt, 1.0, None)[:, None]


def kernel(features, index):
    index = index.astype(jnp.int32)
    zero_rows = jnp.zeros((CHUNK, D), jnp.float32)
    ones_blk = jnp.ones((CHUNK, CW), jnp.float32)

    sums, cnts = _sc_partial_sums(features, index, zero_rows, ones_blk)

    out = pl.pallas_call(
        _combine_body,
        out_shape=jax.ShapeDtypeStruct((V, D), jnp.float32),
    )(sums, cnts)
    return out

# --- scband reference (transcript-rebuilt; emitter-appended) ---
"""Pipeline reference for scband-vfe-31834297598789 (READ-ONLY COPY).

The authoritative reference and input builder live on the scoring server;
editing this copy changes nothing except your own understanding.
"""

import jax, jax.numpy as jnp
import numpy as np

NUM_VOXELS = 10000

def setup_inputs(seed: int = 0) -> dict:
    key = jax.random.key(seed)
    k1, k2 = jax.random.split(key)
    features = jax.random.normal(k1, (320000, 128), dtype=jnp.float32)
    index = jnp.sort(jax.random.randint(k2, (320000,), 0, 10000, dtype=jnp.int64))
    return {"features": features, "index": index}

def reference(features, index):
    # VFE forward: mask out index == -1, then scatter-mean features into voxels.
    mask = index != -1
    safe_idx = jnp.where(mask, index, 0)
    w = mask.astype(features.dtype)
    sums = jax.ops.segment_sum(features * w[:, None], safe_idx, num_segments=NUM_VOXELS)
    counts = jax.ops.segment_sum(w, safe_idx, num_segments=NUM_VOXELS)
    # torch_scatter 'mean' yields 0 for empty segments; clamp count to 1 reproduces that.
    vfe_features = sums / jnp.clip(counts, 1.0, None)[:, None]
    return vfe_features

if __name__ == "__main__":
    import jax
    _d = setup_inputs()
    print(jax.jit(kernel)(*tuple(_d.values())))

</pallas_src>

<mosaic_0001>
#map = affine_map<(d0, d1) -> (0, 0)>
#map1 = affine_map<(d0, d1) -> (0)>
module attributes {stable_mosaic.version = 14 : i64} {
  func.func @body(%arg0: i32, %arg1: i32, %arg2: memref<320000x128xf32, #tpu.memory_space<hbm>>, %arg3: memref<320000xi32, #tpu.memory_space<hbm>>, %arg4: memref<80x128xf32, #tpu.memory_space<hbm>>, %arg5: memref<80x128xf32, #tpu.memory_space<hbm>>, %arg6: memref<10240x128xf32, #tpu.memory_space<hbm>>, %arg7: memref<10240x128xf32, #tpu.memory_space<hbm>>, %arg8: memref<80x128xf32, #tpu.memory_space<vmem>>, %arg9: memref<80x128xf32, #tpu.memory_space<vmem>>, %arg10: memref<80x128xf32, #tpu.memory_space<vmem>>, %arg11: memref<80xi32, #tpu.memory_space<vmem>>, %arg12: memref<80xi32, #tpu.memory_space<vmem>>, %arg13: memref<80xi32, #tpu.memory_space<vmem>>, %arg14: memref<80x128xf32, #tpu.memory_space<vmem>>, %arg15: memref<5120x128xf32, #tpu.memory_space<vmem_shared>>, %arg16: memref<5120x128xf32, #tpu.memory_space<vmem_shared>>, %arg17: memref<!tpu.dma_semaphore, #tpu.memory_space<semaphore_mem>>, %arg18: memref<!tpu.dma_semaphore, #tpu.memory_space<semaphore_mem>>, %arg19: memref<!tpu.dma_semaphore, #tpu.memory_space<semaphore_mem>>, %arg20: memref<!tpu.dma_semaphore, #tpu.memory_space<semaphore_mem>>, %arg21: memref<!tpu.dma_semaphore, #tpu.memory_space<semaphore_mem>>, %arg22: memref<!tpu.dma_semaphore, #tpu.memory_space<semaphore_mem>>) attributes {dimension_semantics = [#tpu.dimension_semantics<core_parallel>, #tpu.dimension_semantics<subcore_parallel>], iteration_bounds = array<i64: 2, 16>, scalar_prefetch = 0 : i64, scratch_operands = 15 : i64, tpu.core_type = #tpu.core_type<sc_vector_subcore>, window_params = [{transform_indices = #map}, {transform_indices = #map1}, {transform_indices = #map}, {transform_indices = #map}, {transform_indices = #map}, {transform_indices = #map}]} {
    %mul3A = arith.constant 320 : i32
    %mul3A_0 = arith.muli %arg1, %mul3A : i32
    %mul3A_1 = arith.constant 5000 : i32
    %mul3A_2 = arith.muli %arg0, %mul3A_1 : i32
    "tpu.region"() ({
      %run_scoped3A = tpu.sem_alloc : memref<!tpu.dma_semaphore, #tpu.memory_space<semaphore_mem>>
      tpu.enqueue_dma source(%arg4 : memref<80x128xf32, #tpu.memory_space<hbm>>) target(%arg8 : memref<80x128xf32, #tpu.memory_space<vmem>>) target_semaphore(%run_scoped3A : memref<!tpu.dma_semaphore, #tpu.memory_space<semaphore_mem>>)
      tpu.wait_dma2 semaphore(%run_scoped3A : memref<!tpu.dma_semaphore, #tpu.memory_space<semaphore_mem>>) src(%arg4 : memref<80x128xf32, #tpu.memory_space<hbm>>) dst(%arg8 : memref<80x128xf32, #tpu.memory_space<vmem>>)
      tpu.yield
    }) : () -> ()
    "tpu.region"() ({
      %run_scoped3A = tpu.sem_alloc : memref<!tpu.dma_semaphore, #tpu.memory_space<semaphore_mem>>
      tpu.enqueue_dma source(%arg5 : memref<80x128xf32, #tpu.memory_space<hbm>>) target(%arg14 : memref<80x128xf32, #tpu.memory_space<vmem>>) target_semaphore(%run_scoped3A : memref<!tpu.dma_semaphore, #tpu.memory_space<semaphore_mem>>)
      tpu.wait_dma2 semaphore(%run_scoped3A : memref<!tpu.dma_semaphore, #tpu.memory_space<semaphore_mem>>) src(%arg5 : memref<80x128xf32, #tpu.memory_space<hbm>>) dst(%arg14 : memref<80x128xf32, #tpu.memory_space<vmem>>)
      tpu.yield
    }) : () -> ()
    %add3A = arith.constant 0 : i32
    %add3A_3 = arith.addi %mul3A_0, %add3A : i32
    "tpu.region"() ({
      %run_scoped3A = tpu.sem_alloc : memref<!tpu.dma_semaphore, #tpu.memory_space<semaphore_mem>>
      %dma_start3A_564 = arith.constant 0 : i32
      %dma_start3A_565 = tpu.memref_slice %arg15[%add3A_3, %dma_start3A_564] : memref<5120x128xf32, #tpu.memory_space<vmem_shared>> -> memref<80x128xf32, #tpu.memory_space<vmem_shared>>
      %dma_start3A_566 = arith.constant 0 : i32
      %dma_start3A_567 = tpu.memref_slice %arg15[%add3A_3, %dma_start3A_566] : memref<5120x128xf32, #tpu.memory_space<vmem_shared>> -> memref<80x128xf32, #tpu.memory_space<vmem_shared>>
      tpu.enqueue_dma source(%arg8 : memref<80x128xf32, #tpu.memory_space<vmem>>) target(%dma_start3A_567 : memref<80x128xf32, #tpu.memory_space<vmem_shared>>) target_semaphore(%run_scoped3A : memref<!tpu.dma_semaphore, #tpu.memory_space<semaphore_mem>>)
      %dma_wait3A_568 = arith.constant 0 : i32
      %dma_wait3A_569 = tpu.memref_slice %arg15[%add3A_3, %dma_wait3A_568] : memref<5120x128xf32, #tpu.memory_space<vmem_shared>> -> memref<80x128xf32, #tpu.memory_space<vmem_shared>>
      %dma_wait3A_570 = arith.constant 0 : i32
      %dma_wait3A_571 = tpu.memref_slice %arg15[%add3A_3, %dma_wait3A_570] : memref<5120x128xf32, #tpu.memory_space<vmem_shared>> -> memref<80x128xf32, #tpu.memory_space<vmem_shared>>
      tpu.wait_dma2 semaphore(%run_scoped3A : memref<!tpu.dma_semaphore, #tpu.memory_space<semaphore_mem>>) src(%arg8 : memref<80x128xf32, #tpu.memory_space<vmem>>) dst(%dma_wait3A_571 : memref<80x128xf32, #tpu.memory_space<vmem_shared>>)
      tpu.yield
    }) : () -> ()
    %add3A_4 = arith.constant 0 : i32
    %add3A_5 = arith.addi %mul3A_0, %add3A_4 : i32
    "tpu.region"() ({
      %run_scoped3A = tpu.sem_alloc : memref<!tpu.dma_semaphore, #tpu.memory_space<semaphore_mem>>
      %dma_start3A_564 = arith.constant 0 : i32
      %dma_start3A_565 = tpu.memref_slice %arg16[%add3A_5, %dma_start3A_564] : memref<5120x128xf32, #tpu.memory_space<vmem_shared>> -> memref<80x128xf32, #tpu.memory_space<vmem_shared>>
      %dma_start3A_566 = arith.constant 0 : i32
      %dma_start3A_567 = tpu.memref_slice %arg16[%add3A_5, %dma_start3A_566] : memref<5120x128xf32, #tpu.memory_space<vmem_shared>> -> memref<80x128xf32, #tpu.memory_space<vmem_shared>>
      tpu.enqueue_dma source(%arg8 : memref<80x128xf32, #tpu.memory_space<vmem>>) target(%dma_start3A_567 : memref<80x128xf32, #tpu.memory_space<vmem_shared>>) target_semaphore(%run_scoped3A : memref<!tpu.dma_semaphore, #tpu.memory_space<semaphore_mem>>)
      %dma_wait3A_568 = arith.constant 0 : i32
      %dma_wait3A_569 = tpu.memref_slice %arg16[%add3A_5, %dma_wait3A_568] : memref<5120x128xf32, #tpu.memory_space<vmem_shared>> -> memref<80x128xf32, #tpu.memory_space<vmem_shared>>
      %dma_wait3A_570 = arith.constant 0 : i32
      %dma_wait3A_571 = tpu.memref_slice %arg16[%add3A_5, %dma_wait3A_570] : memref<5120x128xf32, #tpu.memory_space<vmem_shared>> -> memref<80x128xf32, #tpu.memory_space<vmem_shared>>
      tpu.wait_dma2 semaphore(%run_scoped3A : memref<!tpu.dma_semaphore, #tpu.memory_space<semaphore_mem>>) src(%arg8 : memref<80x128xf32, #tpu.memory_space<vmem>>) dst(%dma_wait3A_571 : memref<80x128xf32, #tpu.memory_space<vmem_shared>>)
      tpu.yield
    }) : () -> ()
    %add3A_6 = arith.constant 80 : i32
    %add3A_7 = arith.addi %mul3A_0, %add3A_6 : i32
    "tpu.region"() ({
      %run_scoped3A = tpu.sem_alloc : memref<!tpu.dma_semaphore, #tpu.memory_space<semaphore_mem>>
      %dma_start3A_564 = arith.constant 0 : i32
      %dma_start3A_565 = tpu.memref_slice %arg15[%add3A_7, %dma_start3A_564] : memref<5120x128xf32, #tpu.memory_space<vmem_shared>> -> memref<80x128xf32, #tpu.memory_space<vmem_shared>>
      %dma_start3A_566 = arith.constant 0 : i32
      %dma_start3A_567 = tpu.memref_slice %arg15[%add3A_7, %dma_start3A_566] : memref<5120x128xf32, #tpu.memory_space<vmem_shared>> -> memref<80x128xf32, #tpu.memory_space<vmem_shared>>
      tpu.enqueue_dma source(%arg8 : memref<80x128xf32, #tpu.memory_space<vmem>>) target(%dma_start3A_567 : memref<80x128xf32, #tpu.memory_space<vmem_shared>>) target_semaphore(%run_scoped3A : memref<!tpu.dma_semaphore, #tpu.memory_space<semaphore_mem>>)
      %dma_wait3A_568 = arith.constant 0 : i32
      %dma_wait3A_569 = tpu.memref_slice %arg15[%add3A_7, %dma_wait3A_568] : memref<5120x128xf32, #tpu.memory_space<vmem_shared>> -> memref<80x128xf32, #tpu.memory_space<vmem_shared>>
      %dma_wait3A_570 = arith.constant 0 : i32
      %dma_wait3A_571 = tpu.memref_slice %arg15[%add3A_7, %dma_wait3A_570] : memref<5120x128xf32, #tpu.memory_space<vmem_shared>> -> memref<80x128xf32, #tpu.memory_space<vmem_shared>>
      tpu.wait_dma2 semaphore(%run_scoped3A : memref<!tpu.dma_semaphore, #tpu.memory_space<semaphore_mem>>) src(%arg8 : memref<80x128xf32, #tpu.memory_space<vmem>>) dst(%dma_wait3A_571 : memref<80x128xf32, #tpu.memory_space<vmem_shared>>)
      tpu.yield
    }) : () -> ()
    %add3A_8 = arith.constant 80 : i32
    %add3A_9 = arith.addi %mul3A_0, %add3A_8 : i32
    "tpu.region"() ({
      %run_scoped3A = tpu.sem_alloc : memref<!tpu.dma_semaphore, #tpu.memory_space<semaphore_mem>>
      %dma_start3A_564 = arith.constant 0 : i32
      %dma_start3A_565 = tpu.memref_slice %arg16[%add3A_9, %dma_start3A_564] : memref<5120x128xf32, #tpu.memory_space<vmem_shared>> -> memref<80x128xf32, #tpu.memory_space<vmem_shared>>
      %dma_start3A_566 = arith.constant 0 : i32
      %dma_start3A_567 = tpu.memref_slice %arg16[%add3A_9, %dma_start3A_566] : memref<5120x128xf32, #tpu.memory_space<vmem_shared>> -> memref<80x128xf32, #tpu.memory_space<vmem_shared>>
      tpu.enqueue_dma source(%arg8 : memref<80x128xf32, #tpu.memory_space<vmem>>) target(%dma_start3A_567 : memref<80x128xf32, #tpu.memory_space<vmem_shared>>) target_semaphore(%run_scoped3A : memref<!tpu.dma_semaphore, #tpu.memory_space<semaphore_mem>>)
      %dma_wait3A_568 = arith.constant 0 : i32
      %dma_wait3A_569 = tpu.memref_slice %arg16[%add3A_9, %dma_wait3A_568] : memref<5120x128xf32, #tpu.memory_space<vmem_shared>> -> memref<80x128xf32, #tpu.memory_space<vmem_shared>>
      %dma_wait3A_570 = arith.constant 0 : i32
      %dma_wait3A_571 = tpu.memref_slice %arg16[%add3A_9, %dma_wait3A_570] : memref<5120x128xf32, #tpu.memory_space<vmem_shared>> -> memref<80x128xf32, #tpu.memory_space<vmem_shared>>
      tpu.wait_dma2 semaphore(%run_scoped3A : memref<!tpu.dma_semaphore, #tpu.memory_space<semaphore_mem>>) src(%arg8 : memref<80x128xf32, #tpu.memory_space<vmem>>) dst(%dma_wait3A_571 : memref<80x128xf32, #tpu.memory_space<vmem_shared>>)
      tpu.yield
    }) : () -> ()
    %add3A_10 = arith.constant 160 : i32
    %add3A_11 = arith.addi %mul3A_0, %add3A_10 : i32
    "tpu.region"() ({
      %run_scoped3A = tpu.sem_alloc : memref<!tpu.dma_semaphore, #tpu.memory_space<semaphore_mem>>
      %dma_start3A_564 = arith.constant 0 : i32
      %dma_start3A_565 = tpu.memref_slice %arg15[%add3A_11, %dma_start3A_564] : memref<5120x128xf32, #tpu.memory_space<vmem_shared>> -> memref<80x128xf32, #tpu.memory_space<vmem_shared>>
      %dma_start3A_566 = arith.constant 0 : i32
      %dma_start3A_567 = tpu.memref_slice %arg15[%add3A_11, %dma_start3A_566] : memref<5120x128xf32, #tpu.memory_space<vmem_shared>> -> memref<80x128xf32, #tpu.memory_space<vmem_shared>>
      tpu.enqueue_dma source(%arg8 : memref<80x128xf32, #tpu.memory_space<vmem>>) target(%dma_start3A_567 : memref<80x128xf32, #tpu.memory_space<vmem_shared>>) target_semaphore(%run_scoped3A : memref<!tpu.dma_semaphore, #tpu.memory_space<semaphore_mem>>)
      %dma_wait3A_568 = arith.constant 0 : i32
      %dma_wait3A_569 = tpu.memref_slice %arg15[%add3A_11, %dma_wait3A_568] : memref<5120x128xf32, #tpu.memory_space<vmem_shared>> -> memref<80x128xf32, #tpu.memory_space<vmem_shared>>
      %dma_wait3A_570 = arith.constant 0 : i32
      %dma_wait3A_571 = tpu.memref_slice %arg15[%add3A_11, %dma_wait3A_570] : memref<5120x128xf32, #tpu.memory_space<vmem_shared>> -> memref<80x128xf32, #tpu.memory_space<vmem_shared>>
      tpu.wait_dma2 semaphore(%run_scoped3A : memref<!tpu.dma_semaphore, #tpu.memory_space<semaphore_mem>>) src(%arg8 : memref<80x128xf32, #tpu.memory_space<vmem>>) dst(%dma_wait3A_571 : memref<80x128xf32, #tpu.memory_space<vmem_shared>>)
      tpu.yield
    }) : () -> ()
    %add3A_12 = arith.constant 160 : i32
    %add3A_13 = arith.addi %mul3A_0, %add3A_12 : i32
    "tpu.region"() ({
      %run_scoped3A = tpu.sem_alloc : memref<!tpu.dma_semaphore, #tpu.memory_space<semaphore_mem>>
      %dma_start3A_564 = arith.constant 0 : i32
      %dma_start3A_565 = tpu.memref_slice %arg16[%add3A_13, %dma_start3A_564] : memref<5120x128xf32, #tpu.memory_space<vmem_shared>> -> memref<80x128xf32, #tpu.memory_space<vmem_shared>>
      %dma_start3A_566 = arith.constant 0 : i32
      %dma_start3A_567 = tpu.memref_slice %arg16[%add3A_13, %dma_start3A_566] : memref<5120x128xf32, #tpu.memory_space<vmem_shared>> -> memref<80x128xf32, #tpu.memory_space<vmem_shared>>
      tpu.enqueue_dma source(%arg8 : memref<80x128xf32, #tpu.memory_space<vmem>>) target(%dma_start3A_567 : memref<80x128xf32, #tpu.memory_space<vmem_shared>>) target_semaphore(%run_scoped3A : memref<!tpu.dma_semaphore, #tpu.memory_space<semaphore_mem>>)
      %dma_wait3A_568 = arith.constant 0 : i32
      %dma_wait3A_569 = tpu.memref_slice %arg16[%add3A_13, %dma_wait3A_568] : memref<5120x128xf32, #tpu.memory_space<vmem_shared>> -> memref<80x128xf32, #tpu.memory_space<vmem_shared>>
      %dma_wait3A_570 = arith.constant 0 : i32
      %dma_wait3A_571 = tpu.memref_slice %arg16[%add3A_13, %dma_wait3A_570] : memref<5120x128xf32, #tpu.memory_space<vmem_shared>> -> memref<80x128xf32, #tpu.memory_space<vmem_shared>>
      tpu.wait_dma2 semaphore(%run_scoped3A : memref<!tpu.dma_semaphore, #tpu.memory_space<semaphore_mem>>) src(%arg8 : memref<80x128xf32, #tpu.memory_space<vmem>>) dst(%dma_wait3A_571 : memref<80x128xf32, #tpu.memory_space<vmem_shared>>)
      tpu.yield
    }) : () -> ()
    %add3A_14 = arith.constant 240 : i32
    %add3A_15 = arith.addi %mul3A_0, %add3A_14 : i32
    "tpu.region"() ({
      %run_scoped3A = tpu.sem_alloc : memref<!tpu.dma_semaphore, #tpu.memory_space<semaphore_mem>>
      %dma_start3A_564 = arith.constant 0 : i32
      %dma_start3A_565 = tpu.memref_slice %arg15[%add3A_15, %dma_start3A_564] : memref<5120x128xf32, #tpu.memory_space<vmem_shared>> -> memref<80x128xf32, #tpu.memory_space<vmem_shared>>
      %dma_start3A_566 = arith.constant 0 : i32
      %dma_start3A_567 = tpu.memref_slice %arg15[%add3A_15, %dma_start3A_566] : memref<5120x128xf32, #tpu.memory_space<vmem_shared>> -> memref<80x128xf32, #tpu.memory_space<vmem_shared>>
      tpu.enqueue_dma source(%arg8 : memref<80x128xf32, #tpu.memory_space<vmem>>) target(%dma_start3A_567 : memref<80x128xf32, #tpu.memory_space<vmem_shared>>) target_semaphore(%run_scoped3A : memref<!tpu.dma_semaphore, #tpu.memory_space<semaphore_mem>>)
      %dma_wait3A_568 = arith.constant 0 : i32
      %dma_wait3A_569 = tpu.memref_slice %arg15[%add3A_15, %dma_wait3A_568] : memref<5120x128xf32, #tpu.memory_space<vmem_shared>> -> memref<80x128xf32, #tpu.memory_space<vmem_shared>>
      %dma_wait3A_570 = arith.constant 0 : i32
      %dma_wait3A_571 = tpu.memref_slice %arg15[%add3A_15, %dma_wait3A_570] : memref<5120x128xf32, #tpu.memory_space<vmem_shared>> -> memref<80x128xf32, #tpu.memory_space<vmem_shared>>
      tpu.wait_dma2 semaphore(%run_scoped3A : memref<!tpu.dma_semaphore, #tpu.memory_space<semaphore_mem>>) src(%arg8 : memref<80x128xf32, #tpu.memory_space<vmem>>) dst(%dma_wait3A_571 : memref<80x128xf32, #tpu.memory_space<vmem_shared>>)
      tpu.yield
    }) : () -> ()
    %add3A_16 = arith.constant 240 : i32
    %add3A_17 = arith.addi %mul3A_0, %add3A_16 : i32
    "tpu.region"() ({
      %run_scoped3A = tpu.sem_alloc : memref<!tpu.dma_semaphore, #tpu.memory_space<semaphore_mem>>
      %dma_start3A_564 = arith.constant 0 : i32
      %dma_start3A_565 = tpu.memref_slice %arg16[%add3A_17, %dma_start3A_564] : memref<5120x128xf32, #tpu.memory_space<vmem_shared>> -> memref<80x128xf32, #tpu.memory_space<vmem_shared>>
      %dma_start3A_566 = arith.constant 0 : i32
      %dma_start3A_567 = tpu.memref_slice %arg16[%add3A_17, %dma_start3A_566] : memref<5120x128xf32, #tpu.memory_space<vmem_shared>> -> memref<80x128xf32, #tpu.memory_space<vmem_shared>>
      tpu.enqueue_dma source(%arg8 : memref<80x128xf32, #tpu.memory_space<vmem>>) target(%dma_start3A_567 : memref<80x128xf32, #tpu.memory_space<vmem_shared>>) target_semaphore(%run_scoped3A : memref<!tpu.dma_semaphore, #tpu.memory_space<semaphore_mem>>)
      %dma_wait3A_568 = arith.constant 0 : i32
      %dma_wait3A_569 = tpu.memref_slice %arg16[%add3A_17, %dma_wait3A_568] : memref<5120x128xf32, #tpu.memory_space<vmem_shared>> -> memref<80x128xf32, #tpu.memory_space<vmem_shared>>
      %dma_wait3A_570 = arith.constant 0 : i32
      %dma_wait3A_571 = tpu.memref_slice %arg16[%add3A_17, %dma_wait3A_570] : memref<5120x128xf32, #tpu.memory_space<vmem_shared>> -> memref<80x128xf32, #tpu.memory_space<vmem_shared>>
      tpu.wait_dma2 semaphore(%run_scoped3A : memref<!tpu.dma_semaphore, #tpu.memory_space<semaphore_mem>>) src(%arg8 : memref<80x128xf32, #tpu.memory_space<vmem>>) dst(%dma_wait3A_571 : memref<80x128xf32, #tpu.memory_space<vmem_shared>>)
      tpu.yield
    }) : () -> ()
    %barrier3A = arith.constant 0 : index
    tpu.barrier barrier_id(%barrier3A)
    %mul3A_18 = arith.constant 20000 : i32
    %mul3A_19 = arith.muli %arg1, %mul3A_18 : i32
    %add3A_20 = arith.constant 0 : i32
    %add3A_21 = arith.addi %mul3A_19, %add3A_20 : i32
    %min3A = arith.constant 319920 : i32
    %min3A_22 = arith.minsi %add3A_21, %min3A : i32
    %dma_start3A = arith.constant 0 : i32
    %dma_start3A_23 = tpu.memref_slice %arg2[%min3A_22, %dma_start3A] : memref<320000x128xf32, #tpu.memory_space<hbm>> -> memref<80x128xf32, #tpu.memory_space<hbm>>
    %dma_start3A_24 = arith.constant 0 : i32
    %dma_start3A_25 = tpu.memref_slice %arg2[%min3A_22, %dma_start3A_24] : memref<320000x128xf32, #tpu.memory_space<hbm>> -> memref<80x128xf32, #tpu.memory_space<hbm>>
    tpu.enqueue_dma source(%dma_start3A_25 : memref<80x128xf32, #tpu.memory_space<hbm>>) target(%arg8 : memref<80x128xf32, #tpu.memory_space<vmem>>) target_semaphore(%arg17 : memref<!tpu.dma_semaphore, #tpu.memory_space<semaphore_mem>>)
    %dma_start3A_26 = tpu.memref_slice %arg3[%min3A_22] : memref<320000xi32, #tpu.memory_space<hbm>> -> memref<80xi32, #tpu.memory_space<hbm>>
    %dma_start3A_27 = tpu.memref_slice %arg3[%min3A_22] : memref<320000xi32, #tpu.memory_space<hbm>> -> memref<80xi32, #tpu.memory_space<hbm>>
    tpu.enqueue_dma source(%dma_start3A_27 : memref<80xi32, #tpu.memory_space<hbm>>) target(%arg11 : memref<80xi32, #tpu.memory_space<vmem>>) target_semaphore(%arg17 : memref<!tpu.dma_semaphore, #tpu.memory_space<semaphore_mem>>)
    %mul3A_28 = arith.constant 20000 : i32
    %mul3A_29 = arith.muli %arg1, %mul3A_28 : i32
    %add3A_30 = arith.constant 0 : i32
    %add3A_31 = arith.addi %mul3A_29, %add3A_30 : i32
    %min3A_32 = arith.constant 319920 : i32
    %min3A_33 = arith.minsi %add3A_31, %min3A_32 : i32
    %dma_wait3A = arith.constant 0 : i32
    %dma_wait3A_34 = tpu.memref_slice %arg2[%min3A_33, %dma_wait3A] : memref<320000x128xf32, #tpu.memory_space<hbm>> -> memref<80x128xf32, #tpu.memory_space<hbm>>
    %dma_wait3A_35 = arith.constant 0 : i32
    %dma_wait3A_36 = tpu.memref_slice %arg2[%min3A_33, %dma_wait3A_35] : memref<320000x128xf32, #tpu.memory_space<hbm>> -> memref<80x128xf32, #tpu.memory_space<hbm>>
    tpu.wait_dma2 semaphore(%arg17 : memref<!tpu.dma_semaphore, #tpu.memory_space<semaphore_mem>>) src(%dma_wait3A_36 : memref<80x128xf32, #tpu.memory_space<hbm>>) dst(%arg8 : memref<80x128xf32, #tpu.memory_space<vmem>>)
    %dma_wait3A_37 = tpu.memref_slice %arg3[%min3A_33] : memref<320000xi32, #tpu.memory_space<hbm>> -> memref<80xi32, #tpu.memory_space<hbm>>
    %dma_wait3A_38 = tpu.memref_slice %arg3[%min3A_33] : memref<320000xi32, #tpu.memory_space<hbm>> -> memref<80xi32, #tpu.memory_space<hbm>>
    tpu.wait_dma2 semaphore(%arg17 : memref<!tpu.dma_semaphore, #tpu.memory_space<semaphore_mem>>) src(%dma_wait3A_38 : memref<80xi32, #tpu.memory_space<hbm>>) dst(%arg11 : memref<80xi32, #tpu.memory_space<vmem>>)
    %get3A = arith.constant 0 : index
    %get3A_39 = tpu.vector_load %arg11[%get3A] {strides = array<i32>} : memref<80xi32, #tpu.memory_space<vmem>>, vector<16xi32>,
    %get3A_40 = vector.shape_cast %get3A_39 : vector<16xi32> to vector<16xi32>
    %sub3A = vector.broadcast %mul3A_2 : i32 to vector<16xi32>
    %sub3A_41 = arith.subi %get3A_40, %sub3A : vector<16xi32>
    %ge3A = arith.constant 0 : i32
    %ge3A_42 = vector.broadcast %ge3A : i32 to vector<16xi32>
    %ge3A_43 = arith.cmpi sge, %sub3A_41, %ge3A_42 : vector<16xi32>
    %lt3A = arith.constant 5000 : i32
    %lt3A_44 = vector.broadcast %lt3A : i32 to vector<16xi32>
    %lt3A_45 = arith.cmpi slt, %sub3A_41, %lt3A_44 : vector<16xi32>
    %and3A = arith.andi %ge3A_43, %lt3A_45 : vector<16xi1>
    %jit3A = arith.constant 5000 : i32
    %broadcast_in_dim3A = vector.broadcast %jit3A : i32 to vector<16xi32>
    %select_n3A = arith.select %and3A, %sub3A_41, %broadcast_in_dim3A : vector<16xi1>, vector<16xi32>
    %swap3A = arith.constant 0 : index
    %swap3A_46 = tpu.vector_load %arg11[%swap3A] {strides = array<i32>} : memref<80xi32, #tpu.memory_space<vmem>>, vector<16xi32>,
    %swap3A_47 = vector.shape_cast %swap3A_46 : vector<16xi32> to vector<16xi32>
    %swap3A_48 = vector.shape_cast %select_n3A : vector<16xi32> to vector<16xi32>
    tpu.vector_store %arg11[%swap3A], %swap3A_48 {strides = array<i32>} : memref<80xi32, #tpu.memory_space<vmem>>, vector<16xi32>,
    %get3A_49 = arith.constant 16 : index
    %get3A_50 = tpu.vector_load %arg11[%get3A_49] {strides = array<i32>} : memref<80xi32, #tpu.memory_space<vmem>>, vector<16xi32>,
    %get3A_51 = vector.shape_cast %get3A_50 : vector<16xi32> to vector<16xi32>
    %sub3A_52 = vector.broadcast %mul3A_2 : i32 to vector<16xi32>
    %sub3A_53 = arith.subi %get3A_51, %sub3A_52 : vector<16xi32>
    %ge3A_54 = arith.constant 0 : i32
    %ge3A_55 = vector.broadcast %ge3A_54 : i32 to vector<16xi32>
    %ge3A_56 = arith.cmpi sge, %sub3A_53, %ge3A_55 : vector<16xi32>
    %lt3A_57 = arith.constant 5000 : i32
    %lt3A_58 = vector.broadcast %lt3A_57 : i32 to vector<16xi32>
    %lt3A_59 = arith.cmpi slt, %sub3A_53, %lt3A_58 : vector<16xi32>
    %and3A_60 = arith.andi %ge3A_56, %lt3A_59 : vector<16xi1>
    %jit3A_61 = arith.constant 5000 : i32
    %broadcast_in_dim3A_62 = vector.broadcast %jit3A_61 : i32 to vector<16xi32>
    %select_n3A_63 = arith.select %and3A_60, %sub3A_53, %broadcast_in_dim3A_62 : vector<16xi1>, vector<16xi32>
    %swap3A_64 = arith.constant 16 : index
    %swap3A_65 = tpu.vector_load %arg11[%swap3A_64] {strides = array<i32>} : memref<80xi32, #tpu.memory_space<vmem>>, vector<16xi32>,
    %swap3A_66 = vector.shape_cast %swap3A_65 : vector<16xi32> to vector<16xi32>
    %swap3A_67 = vector.shape_cast %select_n3A_63 : vector<16xi32> to vector<16xi32>
    tpu.vector_store %arg11[%swap3A_64], %swap3A_67 {strides = array<i32>} : memref<80xi32, #tpu.memory_space<vmem>>, vector<16xi32>,
    %get3A_68 = arith.constant 32 : index
    %get3A_69 = tpu.vector_load %arg11[%get3A_68] {strides = array<i32>} : memref<80xi32, #tpu.memory_space<vmem>>, vector<16xi32>,
    %get3A_70 = vector.shape_cast %get3A_69 : vector<16xi32> to vector<16xi32>
    %sub3A_71 = vector.broadcast %mul3A_2 : i32 to vector<16xi32>
    %sub3A_72 = arith.subi %get3A_70, %sub3A_71 : vector<16xi32>
    %ge3A_73 = arith.constant 0 : i32
    %ge3A_74 = vector.broadcast %ge3A_73 : i32 to vector<16xi32>
    %ge3A_75 = arith.cmpi sge, %sub3A_72, %ge3A_74 : vector<16xi32>
    %lt3A_76 = arith.constant 5000 : i32
    %lt3A_77 = vector.broadcast %lt3A_76 : i32 to vector<16xi32>
    %lt3A_78 = arith.cmpi slt, %sub3A_72, %lt3A_77 : vector<16xi32>
    %and3A_79 = arith.andi %ge3A_75, %lt3A_78 : vector<16xi1>
    %jit3A_80 = arith.constant 5000 : i32
    %broadcast_in_dim3A_81 = vector.broadcast %jit3A_80 : i32 to vector<16xi32>
    %select_n3A_82 = arith.select %and3A_79, %sub3A_72, %broadcast_in_dim3A_81 : vector<16xi1>, vector<16xi32>
    %swap3A_83 = arith.constant 32 : index
    %swap3A_84 = tpu.vector_load %arg11[%swap3A_83] {strides = array<i32>} : memref<80xi32, #tpu.memory_space<vmem>>, vector<16xi32>,
    %swap3A_85 = vector.shape_cast %swap3A_84 : vector<16xi32> to vector<16xi32>
    %swap3A_86 = vector.shape_cast %select_n3A_82 : vector<16xi32> to vector<16xi32>
    tpu.vector_store %arg11[%swap3A_83], %swap3A_86 {strides = array<i32>} : memref<80xi32, #tpu.memory_space<vmem>>, vector<16xi32>,
    %get3A_87 = arith.constant 48 : index
    %get3A_88 = tpu.vector_load %arg11[%get3A_87] {strides = array<i32>} : memref<80xi32, #tpu.memory_space<vmem>>, vector<16xi32>,
    %get3A_89 = vector.shape_cast %get3A_88 : vector<16xi32> to vector<16xi32>
    %sub3A_90 = vector.broadcast %mul3A_2 : i32 to vector<16xi32>
    %sub3A_91 = arith.subi %get3A_89, %sub3A_90 : vector<16xi32>
    %ge3A_92 = arith.constant 0 : i32
    %ge3A_93 = vector.broadcast %ge3A_92 : i32 to vector<16xi32>
    %ge3A_94 = arith.cmpi sge, %sub3A_91, %ge3A_93 : vector<16xi32>
    %lt3A_95 = arith.constant 5000 : i32
    %lt3A_96 = vector.broadcast %lt3A_95 : i32 to vector<16xi32>
    %lt3A_97 = arith.cmpi slt, %sub3A_91, %lt3A_96 : vector<16xi32>
    %and3A_98 = arith.andi %ge3A_94, %lt3A_97 : vector<16xi1>
    %jit3A_99 = arith.constant 5000 : i32
    %broadcast_in_dim3A_100 = vector.broadcast %jit3A_99 : i32 to vector<16xi32>
    %select_n3A_101 = arith.select %and3A_98, %sub3A_91, %broadcast_in_dim3A_100 : vector<16xi1>, vector<16xi32>
    %swap3A_102 = arith.constant 48 : index
    %swap3A_103 = tpu.vector_load %arg11[%swap3A_102] {strides = array<i32>} : memref<80xi32, #tpu.memory_space<vmem>>, vector<16xi32>,
    %swap3A_104 = vector.shape_cast %swap3A_103 : vector<16xi32> to vector<16xi32>
    %swap3A_105 = vector.shape_cast %select_n3A_101 : vector<16xi32> to vector<16xi32>
    tpu.vector_store %arg11[%swap3A_102], %swap3A_105 {strides = array<i32>} : memref<80xi32, #tpu.memory_space<vmem>>, vector<16xi32>,
    %get3A_106 = arith.constant 64 : index
    %get3A_107 = tpu.vector_load %arg11[%get3A_106] {strides = array<i32>} : memref<80xi32, #tpu.memory_space<vmem>>, vector<16xi32>,
    %get3A_108 = vector.shape_cast %get3A_107 : vector<16xi32> to vector<16xi32>
    %sub3A_109 = vector.broadcast %mul3A_2 : i32 to vector<16xi32>
    %sub3A_110 = arith.subi %get3A_108, %sub3A_109 : vector<16xi32>
    %ge3A_111 = arith.constant 0 : i32
    %ge3A_112 = vector.broadcast %ge3A_111 : i32 to vector<16xi32>
    %ge3A_113 = arith.cmpi sge, %sub3A_110, %ge3A_112 : vector<16xi32>
    %lt3A_114 = arith.constant 5000 : i32
    %lt3A_115 = vector.broadcast %lt3A_114 : i32 to vector<16xi32>
    %lt3A_116 = arith.cmpi slt, %sub3A_110, %lt3A_115 : vector<16xi32>
    %and3A_117 = arith.andi %ge3A_113, %lt3A_116 : vector<16xi1>
    %jit3A_118 = arith.constant 5000 : i32
    %broadcast_in_dim3A_119 = vector.broadcast %jit3A_118 : i32 to vector<16xi32>
    %select_n3A_120 = arith.select %and3A_117, %sub3A_110, %broadcast_in_dim3A_119 : vector<16xi1>, vector<16xi32>
    %swap3A_121 = arith.constant 64 : index
    %swap3A_122 = tpu.vector_load %arg11[%swap3A_121] {strides = array<i32>} : memref<80xi32, #tpu.memory_space<vmem>>, vector<16xi32>,
    %swap3A_123 = vector.shape_cast %swap3A_122 : vector<16xi32> to vector<16xi32>
    %swap3A_124 = vector.shape_cast %select_n3A_120 : vector<16xi32> to vector<16xi32>
    tpu.vector_store %arg11[%swap3A_121], %swap3A_124 {strides = array<i32>} : memref<80xi32, #tpu.memory_space<vmem>>, vector<16xi32>,
    %mul3A_125 = arith.constant 20000 : i32
    %mul3A_126 = arith.muli %arg1, %mul3A_125 : i32
    %add3A_127 = arith.constant 80 : i32
    %add3A_128 = arith.addi %mul3A_126, %add3A_127 : i32
    %min3A_129 = arith.constant 319920 : i32
    %min3A_130 = arith.minsi %add3A_128, %min3A_129 : i32
    %dma_start3A_131 = arith.constant 0 : i32
    %dma_start3A_132 = tpu.memref_slice %arg2[%min3A_130, %dma_start3A_131] : memref<320000x128xf32, #tpu.memory_space<hbm>> -> memref<80x128xf32, #tpu.memory_space<hbm>>
    %dma_start3A_133 = arith.constant 0 : i32
    %dma_start3A_134 = tpu.memref_slice %arg2[%min3A_130, %dma_start3A_133] : memref<320000x128xf32, #tpu.memory_space<hbm>> -> memref<80x128xf32, #tpu.memory_space<hbm>>
    tpu.enqueue_dma source(%dma_start3A_134 : memref<80x128xf32, #tpu.memory_space<hbm>>) target(%arg9 : memref<80x128xf32, #tpu.memory_space<vmem>>) target_semaphore(%arg18 : memref<!tpu.dma_semaphore, #tpu.memory_space<semaphore_mem>>)
    %dma_start3A_135 = tpu.memref_slice %arg3[%min3A_130] : memref<320000xi32, #tpu.memory_space<hbm>> -> memref<80xi32, #tpu.memory_space<hbm>>
    %dma_start3A_136 = tpu.memref_slice %arg3[%min3A_130] : memref<320000xi32, #tpu.memory_space<hbm>> -> memref<80xi32, #tpu.memory_space<hbm>>
    tpu.enqueue_dma source(%dma_start3A_136 : memref<80xi32, #tpu.memory_space<hbm>>) target(%arg12 : memref<80xi32, #tpu.memory_space<vmem>>) target_semaphore(%arg18 : memref<!tpu.dma_semaphore, #tpu.memory_space<semaphore_mem>>)
    %dma_start3A_137 = arith.constant 0 : i32
    %dma_start3A_138 = arith.constant 0 : i32
    %dma_start3A_139 = tpu.memref_slice %arg15[%dma_start3A_137, %dma_start3A_138] : memref<5120x128xf32, #tpu.memory_space<vmem_shared>> -> memref<5120x128xf32, #tpu.memory_space<vmem_shared>>
    tpu.enqueue_indirect_dma source(%arg8 : memref<80x128xf32, #tpu.memory_space<vmem>>) target(%dma_start3A_139 : memref<5120x128xf32, #tpu.memory_space<vmem_shared>>) offsets(%arg11 : memref<80xi32, #tpu.memory_space<vmem>>) semaphore(%arg20 : memref<!tpu.dma_semaphore, #tpu.memory_space<semaphore_mem>>) {add = true}
    %mul3A_140 = arith.constant 20000 : i32
    %mul3A_141 = arith.muli %arg1, %mul3A_140 : i32
    %add3A_142 = arith.constant 80 : i32
    %add3A_143 = arith.addi %mul3A_141, %add3A_142 : i32
    %min3A_144 = arith.constant 319920 : i32
    %min3A_145 = arith.minsi %add3A_143, %min3A_144 : i32
    %dma_wait3A_146 = arith.constant 0 : i32
    %dma_wait3A_147 = tpu.memref_slice %arg2[%min3A_145, %dma_wait3A_146] : memref<320000x128xf32, #tpu.memory_space<hbm>> -> memref<80x128xf32, #tpu.memory_space<hbm>>
    %dma_wait3A_148 = arith.constant 0 : i32
    %dma_wait3A_149 = tpu.memref_slice %arg2[%min3A_145, %dma_wait3A_148] : memref<320000x128xf32, #tpu.memory_space<hbm>> -> memref<80x128xf32, #tpu.memory_space<hbm>>
    tpu.wait_dma2 semaphore(%arg18 : memref<!tpu.dma_semaphore, #tpu.memory_space<semaphore_mem>>) src(%dma_wait3A_149 : memref<80x128xf32, #tpu.memory_space<hbm>>) dst(%arg9 : memref<80x128xf32, #tpu.memory_space<vmem>>)
    %dma_wait3A_150 = tpu.memref_slice %arg3[%min3A_145] : memref<320000xi32, #tpu.memory_space<hbm>> -> memref<80xi32, #tpu.memory_space<hbm>>
    %dma_wait3A_151 = tpu.memref_slice %arg3[%min3A_145] : memref<320000xi32, #tpu.memory_space<hbm>> -> memref<80xi32, #tpu.memory_space<hbm>>
    tpu.wait_dma2 semaphore(%arg18 : memref<!tpu.dma_semaphore, #tpu.memory_space<semaphore_mem>>) src(%dma_wait3A_151 : memref<80xi32, #tpu.memory_space<hbm>>) dst(%arg12 : memref<80xi32, #tpu.memory_space<vmem>>)
    %get3A_152 = arith.constant 0 : index
    %get3A_153 = tpu.vector_load %arg12[%get3A_152] {strides = array<i32>} : memref<80xi32, #tpu.memory_space<vmem>>, vector<16xi32>,
    %get3A_154 = vector.shape_cast %get3A_153 : vector<16xi32> to vector<16xi32>
    %sub3A_155 = vector.broadcast %mul3A_2 : i32 to vector<16xi32>
    %sub3A_156 = arith.subi %get3A_154, %sub3A_155 : vector<16xi32>
    %ge3A_157 = arith.constant 0 : i32
    %ge3A_158 = vector.broadcast %ge3A_157 : i32 to vector<16xi32>
    %ge3A_159 = arith.cmpi sge, %sub3A_156, %ge3A_158 : vector<16xi32>
    %lt3A_160 = arith.constant 5000 : i32
    %lt3A_161 = vector.broadcast %lt3A_160 : i32 to vector<16xi32>
    %lt3A_162 = arith.cmpi slt, %sub3A_156, %lt3A_161 : vector<16xi32>
    %and3A_163 = arith.andi %ge3A_159, %lt3A_162 : vector<16xi1>
    %jit3A_164 = arith.constant 5000 : i32
    %broadcast_in_dim3A_165 = vector.broadcast %jit3A_164 : i32 to vector<16xi32>
    %select_n3A_166 = arith.select %and3A_163, %sub3A_156, %broadcast_in_dim3A_165 : vector<16xi1>, vector<16xi32>
    %swap3A_167 = arith.constant 0 : index
    %swap3A_168 = tpu.vector_load %arg12[%swap3A_167] {strides = array<i32>} : memref<80xi32, #tpu.memory_space<vmem>>, vector<16xi32>,
    %swap3A_169 = vector.shape_cast %swap3A_168 : vector<16xi32> to vector<16xi32>
    %swap3A_170 = vector.shape_cast %select_n3A_166 : vector<16xi32> to vector<16xi32>
    tpu.vector_store %arg12[%swap3A_167], %swap3A_170 {strides = array<i32>} : memref<80xi32, #tpu.memory_space<vmem>>, vector<16xi32>,
    %get3A_171 = arith.constant 16 : index
    %get3A_172 = tpu.vector_load %arg12[%get3A_171] {strides = array<i32>} : memref<80xi32, #tpu.memory_space<vmem>>, vector<16xi32>,
    %get3A_173 = vector.shape_cast %get3A_172 : vector<16xi32> to vector<16xi32>
    %sub3A_174 = vector.broadcast %mul3A_2 : i32 to vector<16xi32>
    %sub3A_175 = arith.subi %get3A_173, %sub3A_174 : vector<16xi32>
    %ge3A_176 = arith.constant 0 : i32
    %ge3A_177 = vector.broadcast %ge3A_176 : i32 to vector<16xi32>
    %ge3A_178 = arith.cmpi sge, %sub3A_175, %ge3A_177 : vector<16xi32>
    %lt3A_179 = arith.constant 5000 : i32
    %lt3A_180 = vector.broadcast %lt3A_179 : i32 to vector<16xi32>
    %lt3A_181 = arith.cmpi slt, %sub3A_175, %lt3A_180 : vector<16xi32>
    %and3A_182 = arith.andi %ge3A_178, %lt3A_181 : vector<16xi1>
    %jit3A_183 = arith.constant 5000 : i32
    %broadcast_in_dim3A_184 = vector.broadcast %jit3A_183 : i32 to vector<16xi32>
    %select_n3A_185 = arith.select %and3A_182, %sub3A_175, %broadcast_in_dim3A_184 : vector<16xi1>, vector<16xi32>
    %swap3A_186 = arith.constant 16 : index
    %swap3A_187 = tpu.vector_load %arg12[%swap3A_186] {strides = array<i32>} : memref<80xi32, #tpu.memory_space<vmem>>, vector<16xi32>,
    %swap3A_188 = vector.shape_cast %swap3A_187 : vector<16xi32> to vector<16xi32>
    %swap3A_189 = vector.shape_cast %select_n3A_185 : vector<16xi32> to vector<16xi32>
    tpu.vector_store %arg12[%swap3A_186], %swap3A_189 {strides = array<i32>} : memref<80xi32, #tpu.memory_space<vmem>>, vector<16xi32>,
    %get3A_190 = arith.constant 32 : index
    %get3A_191 = tpu.vector_load %arg12[%get3A_190] {strides = array<i32>} : memref<80xi32, #tpu.memory_space<vmem>>, vector<16xi32>,
    %get3A_192 = vector.shape_cast %get3A_191 : vector<16xi32> to vector<16xi32>
    %sub3A_193 = vector.broadcast %mul3A_2 : i32 to vector<16xi32>
    %sub3A_194 = arith.subi %get3A_192, %sub3A_193 : vector<16xi32>
    %ge3A_195 = arith.constant 0 : i32
    %ge3A_196 = vector.broadcast %ge3A_195 : i32 to vector<16xi32>
    %ge3A_197 = arith.cmpi sge, %sub3A_194, %ge3A_196 : vector<16xi32>
    %lt3A_198 = arith.constant 5000 : i32
    %lt3A_199 = vector.broadcast %lt3A_198 : i32 to vector<16xi32>
    %lt3A_200 = arith.cmpi slt, %sub3A_194, %lt3A_199 : vector<16xi32>
    %and3A_201 = arith.andi %ge3A_197, %lt3A_200 : vector<16xi1>
    %jit3A_202 = arith.constant 5000 : i32
    %broadcast_in_dim3A_203 = vector.broadcast %jit3A_202 : i32 to vector<16xi32>
    %select_n3A_204 = arith.select %and3A_201, %sub3A_194, %broadcast_in_dim3A_203 : vector<16xi1>, vector<16xi32>
    %swap3A_205 = arith.constant 32 : index
    %swap3A_206 = tpu.vector_load %arg12[%swap3A_205] {strides = array<i32>} : memref<80xi32, #tpu.memory_space<vmem>>, vector<16xi32>,
    %swap3A_207 = vector.shape_cast %swap3A_206 : vector<16xi32> to vector<16xi32>
    %swap3A_208 = vector.shape_cast %select_n3A_204 : vector<16xi32> to vector<16xi32>
    tpu.vector_store %arg12[%swap3A_205], %swap3A_208 {strides = array<i32>} : memref<80xi32, #tpu.memory_space<vmem>>, vector<16xi32>,
    %get3A_209 = arith.constant 48 : index
    %get3A_210 = tpu.vector_load %arg12[%get3A_209] {strides = array<i32>} : memref<80xi32, #tpu.memory_space<vmem>>, vector<16xi32>,
    %get3A_211 = vector.shape_cast %get3A_210 : vector<16xi32> to vector<16xi32>
    %sub3A_212 = vector.broadcast %mul3A_2 : i32 to vector<16xi32>
    %sub3A_213 = arith.subi %get3A_211, %sub3A_212 : vector<16xi32>
    %ge3A_214 = arith.constant 0 : i32
    %ge3A_215 = vector.broadcast %ge3A_214 : i32 to vector<16xi32>
    %ge3A_216 = arith.cmpi sge, %sub3A_213, %ge3A_215 : vector<16xi32>
    %lt3A_217 = arith.constant 5000 : i32
    %lt3A_218 = vector.broadcast %lt3A_217 : i32 to vector<16xi32>
    %lt3A_219 = arith.cmpi slt, %sub3A_213, %lt3A_218 : vector<16xi32>
    %and3A_220 = arith.andi %ge3A_216, %lt3A_219 : vector<16xi1>
    %jit3A_221 = arith.constant 5000 : i32
    %broadcast_in_dim3A_222 = vector.broadcast %jit3A_221 : i32 to vector<16xi32>
    %select_n3A_223 = arith.select %and3A_220, %sub3A_213, %broadcast_in_dim3A_222 : vector<16xi1>, vector<16xi32>
    %swap3A_224 = arith.constant 48 : index
    %swap3A_225 = tpu.vector_load %arg12[%swap3A_224] {strides = array<i32>} : memref<80xi32, #tpu.memory_space<vmem>>, vector<16xi32>,
    %swap3A_226 = vector.shape_cast %swap3A_225 : vector<16xi32> to vector<16xi32>
    %swap3A_227 = vector.shape_cast %select_n3A_223 : vector<16xi32> to vector<16xi32>
    tpu.vector_store %arg12[%swap3A_224], %swap3A_227 {strides = array<i32>} : memref<80xi32, #tpu.memory_space<vmem>>, vector<16xi32>,
    %get3A_228 = arith.constant 64 : index
    %get3A_229 = tpu.vector_load %arg12[%get3A_228] {strides = array<i32>} : memref<80xi32, #tpu.memory_space<vmem>>, vector<16xi32>,
    %get3A_230 = vector.shape_cast %get3A_229 : vector<16xi32> to vector<16xi32>
    %sub3A_231 = vector.broadcast %mul3A_2 : i32 to vector<16xi32>
    %sub3A_232 = arith.subi %get3A_230, %sub3A_231 : vector<16xi32>
    %ge3A_233 = arith.constant 0 : i32
    %ge3A_234 = vector.broadcast %ge3A_233 : i32 to vector<16xi32>
    %ge3A_235 = arith.cmpi sge, %sub3A_232, %ge3A_234 : vector<16xi32>
    %lt3A_236 = arith.constant 5000 : i32
    %lt3A_237 = vector.broadcast %lt3A_236 : i32 to vector<16xi32>
    %lt3A_238 = arith.cmpi slt, %sub3A_232, %lt3A_237 : vector<16xi32>
    %and3A_239 = arith.andi %ge3A_235, %lt3A_238 : vector<16xi1>
    %jit3A_240 = arith.constant 5000 : i32
    %broadcast_in_dim3A_241 = vector.broadcast %jit3A_240 : i32 to vector<16xi32>
    %select_n3A_242 = arith.select %and3A_239, %sub3A_232, %broadcast_in_dim3A_241 : vector<16xi1>, vector<16xi32>
    %swap3A_243 = arith.constant 64 : index
    %swap3A_244 = tpu.vector_load %arg12[%swap3A_243] {strides = array<i32>} : memref<80xi32, #tpu.memory_space<vmem>>, vector<16xi32>,
    %swap3A_245 = vector.shape_cast %swap3A_244 : vector<16xi32> to vector<16xi32>
    %swap3A_246 = vector.shape_cast %select_n3A_242 : vector<16xi32> to vector<16xi32>
    tpu.vector_store %arg12[%swap3A_243], %swap3A_246 {strides = array<i32>} : memref<80xi32, #tpu.memory_space<vmem>>, vector<16xi32>,
    %mul3A_247 = arith.constant 20000 : i32
    %mul3A_248 = arith.muli %arg1, %mul3A_247 : i32
    %add3A_249 = arith.constant 160 : i32
    %add3A_250 = arith.addi %mul3A_248, %add3A_249 : i32
    %min3A_251 = arith.constant 319920 : i32
    %min3A_252 = arith.minsi %add3A_250, %min3A_251 : i32
    %dma_start3A_253 = arith.constant 0 : i32
    %dma_start3A_254 = tpu.memref_slice %arg2[%min3A_252, %dma_start3A_253] : memref<320000x128xf32, #tpu.memory_space<hbm>> -> memref<80x128xf32, #tpu.memory_space<hbm>>
    %dma_start3A_255 = arith.constant 0 : i32
    %dma_start3A_256 = tpu.memref_slice %arg2[%min3A_252, %dma_start3A_255] : memref<320000x128xf32, #tpu.memory_space<hbm>> -> memref<80x128xf32, #tpu.memory_space<hbm>>
    tpu.enqueue_dma source(%dma_start3A_256 : memref<80x128xf32, #tpu.memory_space<hbm>>) target(%arg10 : memref<80x128xf32, #tpu.memory_space<vmem>>) target_semaphore(%arg19 : memref<!tpu.dma_semaphore, #tpu.memory_space<semaphore_mem>>)
    %dma_start3A_257 = tpu.memref_slice %arg3[%min3A_252] : memref<320000xi32, #tpu.memory_space<hbm>> -> memref<80xi32, #tpu.memory_space<hbm>>
    %dma_start3A_258 = tpu.memref_slice %arg3[%min3A_252] : memref<320000xi32, #tpu.memory_space<hbm>> -> memref<80xi32, #tpu.memory_space<hbm>>
    tpu.enqueue_dma source(%dma_start3A_258 : memref<80xi32, #tpu.memory_space<hbm>>) target(%arg13 : memref<80xi32, #tpu.memory_space<vmem>>) target_semaphore(%arg19 : memref<!tpu.dma_semaphore, #tpu.memory_space<semaphore_mem>>)
    %dma_start3A_259 = arith.constant 0 : i32
    %dma_start3A_260 = arith.constant 0 : i32
    %dma_start3A_261 = tpu.memref_slice %arg15[%dma_start3A_259, %dma_start3A_260] : memref<5120x128xf32, #tpu.memory_space<vmem_shared>> -> memref<5120x128xf32, #tpu.memory_space<vmem_shared>>
    tpu.enqueue_indirect_dma source(%arg9 : memref<80x128xf32, #tpu.memory_space<vmem>>) target(%dma_start3A_261 : memref<5120x128xf32, #tpu.memory_space<vmem_shared>>) offsets(%arg12 : memref<80xi32, #tpu.memory_space<vmem>>) semaphore(%arg21 : memref<!tpu.dma_semaphore, #tpu.memory_space<semaphore_mem>>) {add = true}
    %scan3A = arith.constant 0 : i32
    %scan3A_262 = arith.constant 0 : i32
    %scan3A_263 = arith.constant 82 : i32
    %scan3A_264 = arith.addi %scan3A_262, %scan3A_263 : i32
    %scan3A_265 = arith.constant 1 : i32
    scf.for %scan3A_564 = %scan3A_262 to %scan3A_264 step %scan3A_265  : i32 {
      %mul3A_565 = arith.constant 3 : i32
      %mul3A_566 = arith.muli %mul3A_565, %scan3A_564 : i32
      %add3A_567 = arith.constant 2 : i32
      %add3A_568 = arith.addi %add3A_567, %mul3A_566 : i32
      %mul3A_569 = arith.constant 20000 : i32
      %mul3A_570 = arith.muli %arg1, %mul3A_569 : i32
      %mul3A_571 = arith.constant 80 : i32
      %mul3A_572 = arith.muli %add3A_568, %mul3A_571 : i32
      %add3A_573 = arith.addi %mul3A_570, %mul3A_572 : i32
      %min3A_574 = arith.constant 319920 : i32
      %min3A_575 = arith.minsi %add3A_573, %min3A_574 : i32
      %dma_wait3A_576 = arith.constant 0 : i32
      %dma_wait3A_577 = tpu.memref_slice %arg2[%min3A_575, %dma_wait3A_576] : memref<320000x128xf32, #tpu.memory_space<hbm>> -> memref<80x128xf32, #tpu.memory_space<hbm>>
      %dma_wait3A_578 = arith.constant 0 : i32
      %dma_wait3A_579 = tpu.memref_slice %arg2[%min3A_575, %dma_wait3A_578] : memref<320000x128xf32, #tpu.memory_space<hbm>> -> memref<80x128xf32, #tpu.memory_space<hbm>>
      tpu.wait_dma2 semaphore(%arg19 : memref<!tpu.dma_semaphore, #tpu.memory_space<semaphore_mem>>) src(%dma_wait3A_579 : memref<80x128xf32, #tpu.memory_space<hbm>>) dst(%arg10 : memref<80x128xf32, #tpu.memory_space<vmem>>)
      %dma_wait3A_580 = tpu.memref_slice %arg3[%min3A_575] : memref<320000xi32, #tpu.memory_space<hbm>> -> memref<80xi32, #tpu.memory_space<hbm>>
      %dma_wait3A_581 = tpu.memref_slice %arg3[%min3A_575] : memref<320000xi32, #tpu.memory_space<hbm>> -> memref<80xi32, #tpu.memory_space<hbm>>
      tpu.wait_dma2 semaphore(%arg19 : memref<!tpu.dma_semaphore, #tpu.memory_space<semaphore_mem>>) src(%dma_wait3A_581 : memref<80xi32, #tpu.memory_space<hbm>>) dst(%arg13 : memref<80xi32, #tpu.memory_space<vmem>>)
      %get3A_582 = arith.constant 0 : index
      %get3A_583 = tpu.vector_load %arg13[%get3A_582] {strides = array<i32>} : memref<80xi32, #tpu.memory_space<vmem>>, vector<16xi32>,
      %get3A_584 = vector.shape_cast %get3A_583 : vector<16xi32> to vector<16xi32>
      %sub3A_585 = vector.broadcast %mul3A_2 : i32 to vector<16xi32>
      %sub3A_586 = arith.subi %get3A_584, %sub3A_585 : vector<16xi32>
      %ge3A_587 = arith.constant 0 : i32
      %ge3A_588 = vector.broadcast %ge3A_587 : i32 to vector<16xi32>
      %ge3A_589 = arith.cmpi sge, %sub3A_586, %ge3A_588 : vector<16xi32>
      %lt3A_590 = arith.constant 5000 : i32
      %lt3A_591 = vector.broadcast %lt3A_590 : i32 to vector<16xi32>
      %lt3A_592 = arith.cmpi slt, %sub3A_586, %lt3A_591 : vector<16xi32>
      %and3A_593 = arith.andi %ge3A_589, %lt3A_592 : vector<16xi1>
      %jit3A_594 = arith.constant 5000 : i32
      %broadcast_in_dim3A_595 = vector.broadcast %jit3A_594 : i32 to vector<16xi32>
      %select_n3A_596 = arith.select %and3A_593, %sub3A_586, %broadcast_in_dim3A_595 : vector<16xi1>, vector<16xi32>
      %swap3A_597 = arith.constant 0 : index
      %swap3A_598 = tpu.vector_load %arg13[%swap3A_597] {strides = array<i32>} : memref<80xi32, #tpu.memory_space<vmem>>, vector<16xi32>,
      %swap3A_599 = vector.shape_cast %swap3A_598 : vector<16xi32> to vector<16xi32>
      %swap3A_600 = vector.shape_cast %select_n3A_596 : vector<16xi32> to vector<16xi32>
      tpu.vector_store %arg13[%swap3A_597], %swap3A_600 {strides = array<i32>} : memref<80xi32, #tpu.memory_space<vmem>>, vector<16xi32>,
      %get3A_601 = arith.constant 16 : index
      %get3A_602 = tpu.vector_load %arg13[%get3A_601] {strides = array<i32>} : memref<80xi32, #tpu.memory_space<vmem>>, vector<16xi32>,
      %get3A_603 = vector.shape_cast %get3A_602 : vector<16xi32> to vector<16xi32>
      %sub3A_604 = vector.broadcast %mul3A_2 : i32 to vector<16xi32>
      %sub3A_605 = arith.subi %get3A_603, %sub3A_604 : vector<16xi32>
      %ge3A_606 = arith.constant 0 : i32
      %ge3A_607 = vector.broadcast %ge3A_606 : i32 to vector<16xi32>
      %ge3A_608 = arith.cmpi sge, %sub3A_605, %ge3A_607 : vector<16xi32>
      %lt3A_609 = arith.constant 5000 : i32
      %lt3A_610 = vector.broadcast %lt3A_609 : i32 to vector<16xi32>
      %lt3A_611 = arith.cmpi slt, %sub3A_605, %lt3A_610 : vector<16xi32>
      %and3A_612 = arith.andi %ge3A_608, %lt3A_611 : vector<16xi1>
      %jit3A_613 = arith.constant 5000 : i32
      %broadcast_in_dim3A_614 = vector.broadcast %jit3A_613 : i32 to vector<16xi32>
      %select_n3A_615 = arith.select %and3A_612, %sub3A_605, %broadcast_in_dim3A_614 : vector<16xi1>, vector<16xi32>
      %swap3A_616 = arith.constant 16 : index
      %swap3A_617 = tpu.vector_load %arg13[%swap3A_616] {strides = array<i32>} : memref<80xi32, #tpu.memory_space<vmem>>, vector<16xi32>,
      %swap3A_618 = vector.shape_cast %swap3A_617 : vector<16xi32> to vector<16xi32>
      %swap3A_619 = vector.shape_cast %select_n3A_615 : vector<16xi32> to vector<16xi32>
      tpu.vector_store %arg13[%swap3A_616], %swap3A_619 {strides = array<i32>} : memref<80xi32, #tpu.memory_space<vmem>>, vector<16xi32>,
      %get3A_620 = arith.constant 32 : index
      %get3A_621 = tpu.vector_load %arg13[%get3A_620] {strides = array<i32>} : memref<80xi32, #tpu.memory_space<vmem>>, vector<16xi32>,
      %get3A_622 = vector.shape_cast %get3A_621 : vector<16xi32> to vector<16xi32>
      %sub3A_623 = vector.broadcast %mul3A_2 : i32 to vector<16xi32>
      %sub3A_624 = arith.subi %get3A_622, %sub3A_623 : vector<16xi32>
      %ge3A_625 = arith.constant 0 : i32
      %ge3A_626 = vector.broadcast %ge3A_625 : i32 to vector<16xi32>
      %ge3A_627 = arith.cmpi sge, %sub3A_624, %ge3A_626 : vector<16xi32>
      %lt3A_628 = arith.constant 5000 : i32
      %lt3A_629 = vector.broadcast %lt3A_628 : i32 to vector<16xi32>
      %lt3A_630 = arith.cmpi slt, %sub3A_624, %lt3A_629 : vector<16xi32>
      %and3A_631 = arith.andi %ge3A_627, %lt3A_630 : vector<16xi1>
      %jit3A_632 = arith.constant 5000 : i32
      %broadcast_in_dim3A_633 = vector.broadcast %jit3A_632 : i32 to vector<16xi32>
      %select_n3A_634 = arith.select %and3A_631, %sub3A_624, %broadcast_in_dim3A_633 : vector<16xi1>, vector<16xi32>
      %swap3A_635 = arith.constant 32 : index
      %swap3A_636 = tpu.vector_load %arg13[%swap3A_635] {strides = array<i32>} : memref<80xi32, #tpu.memory_space<vmem>>, vector<16xi32>,
      %swap3A_637 = vector.shape_cast %swap3A_636 : vector<16xi32> to vector<16xi32>
      %swap3A_638 = vector.shape_cast %select_n3A_634 : vector<16xi32> to vector<16xi32>
      tpu.vector_store %arg13[%swap3A_635], %swap3A_638 {strides = array<i32>} : memref<80xi32, #tpu.memory_space<vmem>>, vector<16xi32>,
      %get3A_639 = arith.constant 48 : index
      %get3A_640 = tpu.vector_load %arg13[%get3A_639] {strides = array<i32>} : memref<80xi32, #tpu.memory_space<vmem>>, vector<16xi32>,
      %get3A_641 = vector.shape_cast %get3A_640 : vector<16xi32> to vector<16xi32>
      %sub3A_642 = vector.broadcast %mul3A_2 : i32 to vector<16xi32>
      %sub3A_643 = arith.subi %get3A_641, %sub3A_642 : vector<16xi32>
      %ge3A_644 = arith.constant 0 : i32
      %ge3A_645 = vector.broadcast %ge3A_644 : i32 to vector<16xi32>
      %ge3A_646 = arith.cmpi sge, %sub3A_643, %ge3A_645 : vector<16xi32>
      %lt3A_647 = arith.constant 5000 : i32
      %lt3A_648 = vector.broadcast %lt3A_647 : i32 to vector<16xi32>
      %lt3A_649 = arith.cmpi slt, %sub3A_643, %lt3A_648 : vector<16xi32>
      %and3A_650 = arith.andi %ge3A_646, %lt3A_649 : vector<16xi1>
      %jit3A_651 = arith.constant 5000 : i32
      %broadcast_in_dim3A_652 = vector.broadcast %jit3A_651 : i32 to vector<16xi32>
      %select_n3A_653 = arith.select %and3A_650, %sub3A_643, %broadcast_in_dim3A_652 : vector<16xi1>, vector<16xi32>
      %swap3A_654 = arith.constant 48 : index
      %swap3A_655 = tpu.vector_load %arg13[%swap3A_654] {strides = array<i32>} : memref<80xi32, #tpu.memory_space<vmem>>, vector<16xi32>,
      %swap3A_656 = vector.shape_cast %swap3A_655 : vector<16xi32> to vector<16xi32>
      %swap3A_657 = vector.shape_cast %select_n3A_653 : vector<16xi32> to vector<16xi32>
      tpu.vector_store %arg13[%swap3A_654], %swap3A_657 {strides = array<i32>} : memref<80xi32, #tpu.memory_space<vmem>>, vector<16xi32>,
      %get3A_658 = arith.constant 64 : index
      %get3A_659 = tpu.vector_load %arg13[%get3A_658] {strides = array<i32>} : memref<80xi32, #tpu.memory_space<vmem>>, vector<16xi32>,
      %get3A_660 = vector.shape_cast %get3A_659 : vector<16xi32> to vector<16xi32>
      %sub3A_661 = vector.broadcast %mul3A_2 : i32 to vector<16xi32>
      %sub3A_662 = arith.subi %get3A_660, %sub3A_661 : vector<16xi32>
      %ge3A_663 = arith.constant 0 : i32
      %ge3A_664 = vector.broadcast %ge3A_663 : i32 to vector<16xi32>
      %ge3A_665 = arith.cmpi sge, %sub3A_662, %ge3A_664 : vector<16xi32>
      %lt3A_666 = arith.constant 5000 : i32
      %lt3A_667 = vector.broadcast %lt3A_666 : i32 to vector<16xi32>
      %lt3A_668 = arith.cmpi slt, %sub3A_662, %lt3A_667 : vector<16xi32>
      %and3A_669 = arith.andi %ge3A_665, %lt3A_668 : vector<16xi1>
      %jit3A_670 = arith.constant 5000 : i32
      %broadcast_in_dim3A_671 = vector.broadcast %jit3A_670 : i32 to vector<16xi32>
      %select_n3A_672 = arith.select %and3A_669, %sub3A_662, %broadcast_in_dim3A_671 : vector<16xi1>, vector<16xi32>
      %swap3A_673 = arith.constant 64 : index
      %swap3A_674 = tpu.vector_load %arg13[%swap3A_673] {strides = array<i32>} : memref<80xi32, #tpu.memory_space<vmem>>, vector<16xi32>,
      %swap3A_675 = vector.shape_cast %swap3A_674 : vector<16xi32> to vector<16xi32>
      %swap3A_676 = vector.shape_cast %select_n3A_672 : vector<16xi32> to vector<16xi32>
      tpu.vector_store %arg13[%swap3A_673], %swap3A_676 {strides = array<i32>} : memref<80xi32, #tpu.memory_space<vmem>>, vector<16xi32>,
      %dma_wait3A_677 = arith.constant 0 : i32
      %dma_wait3A_678 = arith.constant 0 : i32
      %dma_wait3A_679 = tpu.memref_slice %arg15[%dma_wait3A_677, %dma_wait3A_678] : memref<5120x128xf32, #tpu.memory_space<vmem_shared>> -> memref<5120x128xf32, #tpu.memory_space<vmem_shared>>
      tpu.wait_indirect_dma semaphore(%arg20 : memref<!tpu.dma_semaphore, #tpu.memory_space<semaphore_mem>>) src(%arg8 : memref<80x128xf32, #tpu.memory_space<vmem>>) dst(%dma_wait3A_679 : memref<5120x128xf32, #tpu.memory_space<vmem_shared>>)
      %add3A_680 = arith.constant 1 : i32
      %add3A_681 = arith.addi %add3A_568, %add3A_680 : i32
      %mul3A_682 = arith.constant 20000 : i32
      %mul3A_683 = arith.muli %arg1, %mul3A_682 : i32
      %mul3A_684 = arith.constant 80 : i32
      %mul3A_685 = arith.muli %add3A_681, %mul3A_684 : i32
      %add3A_686 = arith.addi %mul3A_683, %mul3A_685 : i32
      %min3A_687 = arith.constant 319920 : i32
      %min3A_688 = arith.minsi %add3A_686, %min3A_687 : i32
      %dma_start3A_689 = arith.constant 0 : i32
      %dma_start3A_690 = tpu.memref_slice %arg2[%min3A_688, %dma_start3A_689] : memref<320000x128xf32, #tpu.memory_space<hbm>> -> memref<80x128xf32, #tpu.memory_space<hbm>>
      %dma_start3A_691 = arith.constant 0 : i32
      %dma_start3A_692 = tpu.memref_slice %arg2[%min3A_688, %dma_start3A_691] : memref<320000x128xf32, #tpu.memory_space<hbm>> -> memref<80x128xf32, #tpu.memory_space<hbm>>
      tpu.enqueue_dma source(%dma_start3A_692 : memref<80x128xf32, #tpu.memory_space<hbm>>) target(%arg8 : memref<80x128xf32, #tpu.memory_space<vmem>>) target_semaphore(%arg17 : memref<!tpu.dma_semaphore, #tpu.memory_space<semaphore_mem>>)
      %dma_start3A_693 = tpu.memref_slice %arg3[%min3A_688] : memref<320000xi32, #tpu.memory_space<hbm>> -> memref<80xi32, #tpu.memory_space<hbm>>
      %dma_start3A_694 = tpu.memref_slice %arg3[%min3A_688] : memref<320000xi32, #tpu.memory_space<hbm>> -> memref<80xi32, #tpu.memory_space<hbm>>
      tpu.enqueue_dma source(%dma_start3A_694 : memref<80xi32, #tpu.memory_space<hbm>>) target(%arg11 : memref<80xi32, #tpu.memory_space<vmem>>) target_semaphore(%arg17 : memref<!tpu.dma_semaphore, #tpu.memory_space<semaphore_mem>>)
      %dma_start3A_695 = arith.constant 0 : i32
      %dma_start3A_696 = arith.constant 0 : i32
      %dma_start3A_697 = tpu.memref_slice %arg15[%dma_start3A_695, %dma_start3A_696] : memref<5120x128xf32, #tpu.memory_space<vmem_shared>> -> memref<5120x128xf32, #tpu.memory_space<vmem_shared>>
      tpu.enqueue_indirect_dma source(%arg10 : memref<80x128xf32, #tpu.memory_space<vmem>>) target(%dma_start3A_697 : memref<5120x128xf32, #tpu.memory_space<vmem_shared>>) offsets(%arg13 : memref<80xi32, #tpu.memory_space<vmem>>) semaphore(%arg22 : memref<!tpu.dma_semaphore, #tpu.memory_space<semaphore_mem>>) {add = true}
      %add3A_698 = arith.constant 1 : i32
      %add3A_699 = arith.addi %add3A_568, %add3A_698 : i32
      %mul3A_700 = arith.constant 20000 : i32
      %mul3A_701 = arith.muli %arg1, %mul3A_700 : i32
      %mul3A_702 = arith.constant 80 : i32
      %mul3A_703 = arith.muli %add3A_699, %mul3A_702 : i32
      %add3A_704 = arith.addi %mul3A_701, %mul3A_703 : i32
      %min3A_705 = arith.constant 319920 : i32
      %min3A_706 = arith.minsi %add3A_704, %min3A_705 : i32
      %dma_wait3A_707 = arith.constant 0 : i32
      %dma_wait3A_708 = tpu.memref_slice %arg2[%min3A_706, %dma_wait3A_707] : memref<320000x128xf32, #tpu.memory_space<hbm>> -> memref<80x128xf32, #tpu.memory_space<hbm>>
      %dma_wait3A_709 = arith.constant 0 : i32
      %dma_wait3A_710 = tpu.memref_slice %arg2[%min3A_706, %dma_wait3A_709] : memref<320000x128xf32, #tpu.memory_space<hbm>> -> memref<80x128xf32, #tpu.memory_space<hbm>>
      tpu.wait_dma2 semaphore(%arg17 : memref<!tpu.dma_semaphore, #tpu.memory_space<semaphore_mem>>) src(%dma_wait3A_710 : memref<80x128xf32, #tpu.memory_space<hbm>>) dst(%arg8 : memref<80x128xf32, #tpu.memory_space<vmem>>)
      %dma_wait3A_711 = tpu.memref_slice %arg3[%min3A_706] : memref<320000xi32, #tpu.memory_space<hbm>> -> memref<80xi32, #tpu.memory_space<hbm>>
      %dma_wait3A_712 = tpu.memref_slice %arg3[%min3A_706] : memref<320000xi32, #tpu.memory_space<hbm>> -> memref<80xi32, #tpu.memory_space<hbm>>
      tpu.wait_dma2 semaphore(%arg17 : memref<!tpu.dma_semaphore, #tpu.memory_space<semaphore_mem>>) src(%dma_wait3A_712 : memref<80xi32, #tpu.memory_space<hbm>>) dst(%arg11 : memref<80xi32, #tpu.memory_space<vmem>>)
      %get3A_713 = arith.constant 0 : index
      %get3A_714 = tpu.vector_load %arg11[%get3A_713] {strides = array<i32>} : memref<80xi32, #tpu.memory_space<vmem>>, vector<16xi32>,
      %get3A_715 = vector.shape_cast %get3A_714 : vector<16xi32> to vector<16xi32>
      %sub3A_716 = vector.broadcast %mul3A_2 : i32 to vector<16xi32>
      %sub3A_717 = arith.subi %get3A_715, %sub3A_716 : vector<16xi32>
      %ge3A_718 = arith.constant 0 : i32
      %ge3A_719 = vector.broadcast %ge3A_718 : i32 to vector<16xi32>
      %ge3A_720 = arith.cmpi sge, %sub3A_717, %ge3A_719 : vector<16xi32>
      %lt3A_721 = arith.constant 5000 : i32
      %lt3A_722 = vector.broadcast %lt3A_721 : i32 to vector<16xi32>
      %lt3A_723 = arith.cmpi slt, %sub3A_717, %lt3A_722 : vector<16xi32>
      %and3A_724 = arith.andi %ge3A_720, %lt3A_723 : vector<16xi1>
      %jit3A_725 = arith.constant 5000 : i32
      %broadcast_in_dim3A_726 = vector.broadcast %jit3A_725 : i32 to vector<16xi32>
      %select_n3A_727 = arith.select %and3A_724, %sub3A_717, %broadcast_in_dim3A_726 : vector<16xi1>, vector<16xi32>
      %swap3A_728 = arith.constant 0 : index
      %swap3A_729 = tpu.vector_load %arg11[%swap3A_728] {strides = array<i32>} : memref<80xi32, #tpu.memory_space<vmem>>, vector<16xi32>,
      %swap3A_730 = vector.shape_cast %swap3A_729 : vector<16xi32> to vector<16xi32>
      %swap3A_731 = vector.shape_cast %select_n3A_727 : vector<16xi32> to vector<16xi32>
      tpu.vector_store %arg11[%swap3A_728], %swap3A_731 {strides = array<i32>} : memref<80xi32, #tpu.memory_space<vmem>>, vector<16xi32>,
      %get3A_732 = arith.constant 16 : index
      %get3A_733 = tpu.vector_load %arg11[%get3A_732] {strides = array<i32>} : memref<80xi32, #tpu.memory_space<vmem>>, vector<16xi32>,
      %get3A_734 = vector.shape_cast %get3A_733 : vector<16xi32> to vector<16xi32>
      %sub3A_735 = vector.broadcast %mul3A_2 : i32 to vector<16xi32>
      %sub3A_736 = arith.subi %get3A_734, %sub3A_735 : vector<16xi32>
      %ge3A_737 = arith.constant 0 : i32
      %ge3A_738 = vector.broadcast %ge3A_737 : i32 to vector<16xi32>
      %ge3A_739 = arith.cmpi sge, %sub3A_736, %ge3A_738 : vector<16xi32>
      %lt3A_740 = arith.constant 5000 : i32
      %lt3A_741 = vector.broadcast %lt3A_740 : i32 to vector<16xi32>
      %lt3A_742 = arith.cmpi slt, %sub3A_736, %lt3A_741 : vector<16xi32>
      %and3A_743 = arith.andi %ge3A_739, %lt3A_742 : vector<16xi1>
      %jit3A_744 = arith.constant 5000 : i32
      %broadcast_in_dim3A_745 = vector.broadcast %jit3A_744 : i32 to vector<16xi32>
      %select_n3A_746 = arith.select %and3A_743, %sub3A_736, %broadcast_in_dim3A_745 : vector<16xi1>, vector<16xi32>
      %swap3A_747 = arith.constant 16 : index
      %swap3A_748 = tpu.vector_load %arg11[%swap3A_747] {strides = array<i32>} : memref<80xi32, #tpu.memory_space<vmem>>, vector<16xi32>,
      %swap3A_749 = vector.shape_cast %swap3A_748 : vector<16xi32> to vector<16xi32>
      %swap3A_750 = vector.shape_cast %select_n3A_746 : vector<16xi32> to vector<16xi32>
      tpu.vector_store %arg11[%swap3A_747], %swap3A_750 {strides = array<i32>} : memref<80xi32, #tpu.memory_space<vmem>>, vector<16xi32>,
      %get3A_751 = arith.constant 32 : index
      %get3A_752 = tpu.vector_load %arg11[%get3A_751] {strides = array<i32>} : memref<80xi32, #tpu.memory_space<vmem>>, vector<16xi32>,
      %get3A_753 = vector.shape_cast %get3A_752 : vector<16xi32> to vector<16xi32>
      %sub3A_754 = vector.broadcast %mul3A_2 : i32 to vector<16xi32>
      %sub3A_755 = arith.subi %get3A_753, %sub3A_754 : vector<16xi32>
      %ge3A_756 = arith.constant 0 : i32
      %ge3A_757 = vector.broadcast %ge3A_756 : i32 to vector<16xi32>
      %ge3A_758 = arith.cmpi sge, %sub3A_755, %ge3A_757 : vector<16xi32>
      %lt3A_759 = arith.constant 5000 : i32
      %lt3A_760 = vector.broadcast %lt3A_759 : i32 to vector<16xi32>
      %lt3A_761 = arith.cmpi slt, %sub3A_755, %lt3A_760 : vector<16xi32>
      %and3A_762 = arith.andi %ge3A_758, %lt3A_761 : vector<16xi1>
      %jit3A_763 = arith.constant 5000 : i32
      %broadcast_in_dim3A_764 = vector.broadcast %jit3A_763 : i32 to vector<16xi32>
      %select_n3A_765 = arith.select %and3A_762, %sub3A_755, %broadcast_in_dim3A_764 : vector<16xi1>, vector<16xi32>
      %swap3A_766 = arith.constant 32 : index
      %swap3A_767 = tpu.vector_load %arg11[%swap3A_766] {strides = array<i32>} : memref<80xi32, #tpu.memory_space<vmem>>, vector<16xi32>,
      %swap3A_768 = vector.shape_cast %swap3A_767 : vector<16xi32> to vector<16xi32>
      %swap3A_769 = vector.shape_cast %select_n3A_765 : vector<16xi32> to vector<16xi32>
      tpu.vector_store %arg11[%swap3A_766], %swap3A_769 {strides = array<i32>} : memref<80xi32, #tpu.memory_space<vmem>>, vector<16xi32>,
      %get3A_770 = arith.constant 48 : index
      %get3A_771 = tpu.vector_load %arg11[%get3A_770] {strides = array<i32>} : memref<80xi32, #tpu.memory_space<vmem>>, vector<16xi32>,
      %get3A_772 = vector.shape_cast %get3A_771 : vector<16xi32> to vector<16xi32>
      %sub3A_773 = vector.broadcast %mul3A_2 : i32 to vector<16xi32>
      %sub3A_774 = arith.subi %get3A_772, %sub3A_773 : vector<16xi32>
      %ge3A_775 = arith.constant 0 : i32
      %ge3A_776 = vector.broadcast %ge3A_775 : i32 to vector<16xi32>
      %ge3A_777 = arith.cmpi sge, %sub3A_774, %ge3A_776 : vector<16xi32>
      %lt3A_778 = arith.constant 5000 : i32
      %lt3A_779 = vector.broadcast %lt3A_778 : i32 to vector<16xi32>
      %lt3A_780 = arith.cmpi slt, %sub3A_774, %lt3A_779 : vector<16xi32>
      %and3A_781 = arith.andi %ge3A_777, %lt3A_780 : vector<16xi1>
      %jit3A_782 = arith.constant 5000 : i32
      %broadcast_in_dim3A_783 = vector.broadcast %jit3A_782 : i32 to vector<16xi32>
      %select_n3A_784 = arith.select %and3A_781, %sub3A_774, %broadcast_in_dim3A_783 : vector<16xi1>, vector<16xi32>
      %swap3A_785 = arith.constant 48 : index
      %swap3A_786 = tpu.vector_load %arg11[%swap3A_785] {strides = array<i32>} : memref<80xi32, #tpu.memory_space<vmem>>, vector<16xi32>,
      %swap3A_787 = vector.shape_cast %swap3A_786 : vector<16xi32> to vector<16xi32>
      %swap3A_788 = vector.shape_cast %select_n3A_784 : vector<16xi32> to vector<16xi32>
      tpu.vector_store %arg11[%swap3A_785], %swap3A_788 {strides = array<i32>} : memref<80xi32, #tpu.memory_space<vmem>>, vector<16xi32>,
      %get3A_789 = arith.constant 64 : index
      %get3A_790 = tpu.vector_load %arg11[%get3A_789] {strides = array<i32>} : memref<80xi32, #tpu.memory_space<vmem>>, vector<16xi32>,
      %get3A_791 = vector.shape_cast %get3A_790 : vector<16xi32> to vector<16xi32>
      %sub3A_792 = vector.broadcast %mul3A_2 : i32 to vector<16xi32>
      %sub3A_793 = arith.subi %get3A_791, %sub3A_792 : vector<16xi32>
      %ge3A_794 = arith.constant 0 : i32
      %ge3A_795 = vector.broadcast %ge3A_794 : i32 to vector<16xi32>
      %ge3A_796 = arith.cmpi sge, %sub3A_793, %ge3A_795 : vector<16xi32>
      %lt3A_797 = arith.constant 5000 : i32
      %lt3A_798 = vector.broadcast %lt3A_797 : i32 to vector<16xi32>
      %lt3A_799 = arith.cmpi slt, %sub3A_793, %lt3A_798 : vector<16xi32>
      %and3A_800 = arith.andi %ge3A_796, %lt3A_799 : vector<16xi1>
      %jit3A_801 = arith.constant 5000 : i32
      %broadcast_in_dim3A_802 = vector.broadcast %jit3A_801 : i32 to vector<16xi32>
      %select_n3A_803 = arith.select %and3A_800, %sub3A_793, %broadcast_in_dim3A_802 : vector<16xi1>, vector<16xi32>
      %swap3A_804 = arith.constant 64 : index
      %swap3A_805 = tpu.vector_load %arg11[%swap3A_804] {strides = array<i32>} : memref<80xi32, #tpu.memory_space<vmem>>, vector<16xi32>,
      %swap3A_806 = vector.shape_cast %swap3A_805 : vector<16xi32> to vector<16xi32>
      %swap3A_807 = vector.shape_cast %select_n3A_803 : vector<16xi32> to vector<16xi32>
      tpu.vector_store %arg11[%swap3A_804], %swap3A_807 {strides = array<i32>} : memref<80xi32, #tpu.memory_space<vmem>>, vector<16xi32>,
      %dma_wait3A_808 = arith.constant 0 : i32
      %dma_wait3A_809 = arith.constant 0 : i32
      %dma_wait3A_810 = tpu.memref_slice %arg15[%dma_wait3A_808, %dma_wait3A_809] : memref<5120x128xf32, #tpu.memory_space<vmem_shared>> -> memref<5120x128xf32, #tpu.memory_space<vmem_shared>>
      tpu.wait_indirect_dma semaphore(%arg21 : memref<!tpu.dma_semaphore, #tpu.memory_space<semaphore_mem>>) src(%arg9 : memref<80x128xf32, #tpu.memory_space<vmem>>) dst(%dma_wait3A_810 : memref<5120x128xf32, #tpu.memory_space<vmem_shared>>)
      %add3A_811 = arith.constant 1 : i32
      %add3A_812 = arith.addi %add3A_699, %add3A_811 : i32
      %mul3A_813 = arith.constant 20000 : i32
      %mul3A_814 = arith.muli %arg1, %mul3A_813 : i32
      %mul3A_815 = arith.constant 80 : i32
      %mul3A_816 = arith.muli %add3A_812, %mul3A_815 : i32
      %add3A_817 = arith.addi %mul3A_814, %mul3A_816 : i32
      %min3A_818 = arith.constant 319920 : i32
      %min3A_819 = arith.minsi %add3A_817, %min3A_818 : i32
      %dma_start3A_820 = arith.constant 0 : i32
      %dma_start3A_821 = tpu.memref_slice %arg2[%min3A_819, %dma_start3A_820] : memref<320000x128xf32, #tpu.memory_space<hbm>> -> memref<80x128xf32, #tpu.memory_space<hbm>>
      %dma_start3A_822 = arith.constant 0 : i32
      %dma_start3A_823 = tpu.memref_slice %arg2[%min3A_819, %dma_start3A_822] : memref<320000x128xf32, #tpu.memory_space<hbm>> -> memref<80x128xf32, #tpu.memory_space<hbm>>
      tpu.enqueue_dma source(%dma_start3A_823 : memref<80x128xf32, #tpu.memory_space<hbm>>) target(%arg9 : memref<80x128xf32, #tpu.memory_space<vmem>>) target_semaphore(%arg18 : memref<!tpu.dma_semaphore, #tpu.memory_space<semaphore_mem>>)
      %dma_start3A_824 = tpu.memref_slice %arg3[%min3A_819] : memref<320000xi32, #tpu.memory_space<hbm>> -> memref<80xi32, #tpu.memory_space<hbm>>
      %dma_start3A_825 = tpu.memref_slice %arg3[%min3A_819] : memref<320000xi32, #tpu.memory_space<hbm>> -> memref<80xi32, #tpu.memory_space<hbm>>
      tpu.enqueue_dma source(%dma_start3A_825 : memref<80xi32, #tpu.memory_space<hbm>>) target(%arg12 : memref<80xi32, #tpu.memory_space<vmem>>) target_semaphore(%arg18 : memref<!tpu.dma_semaphore, #tpu.memory_space<semaphore_mem>>)
      %dma_start3A_826 = arith.constant 0 : i32
      %dma_start3A_827 = arith.constant 0 : i32
      %dma_start3A_828 = tpu.memref_slice %arg15[%dma_start3A_826, %dma_start3A_827] : memref<5120x128xf32, #tpu.memory_space<vmem_shared>> -> memref<5120x128xf32, #tpu.memory_space<vmem_shared>>
      tpu.enqueue_indirect_dma source(%arg8 : memref<80x128xf32, #tpu.memory_space<vmem>>) target(%dma_start3A_828 : memref<5120x128xf32, #tpu.memory_space<vmem_shared>>) offsets(%arg11 : memref<80xi32, #tpu.memory_space<vmem>>) semaphore(%arg20 : memref<!tpu.dma_semaphore, #tpu.memory_space<semaphore_mem>>) {add = true}
      %add3A_829 = arith.constant 2 : i32
      %add3A_830 = arith.addi %add3A_568, %add3A_829 : i32
      %mul3A_831 = arith.constant 20000 : i32
      %mul3A_832 = arith.muli %arg1, %mul3A_831 : i32
      %mul3A_833 = arith.constant 80 : i32
      %mul3A_834 = arith.muli %add3A_830, %mul3A_833 : i32
      %add3A_835 = arith.addi %mul3A_832, %mul3A_834 : i32
      %min3A_836 = arith.constant 319920 : i32
      %min3A_837 = arith.minsi %add3A_835, %min3A_836 : i32
      %dma_wait3A_838 = arith.constant 0 : i32
      %dma_wait3A_839 = tpu.memref_slice %arg2[%min3A_837, %dma_wait3A_838] : memref<320000x128xf32, #tpu.memory_space<hbm>> -> memref<80x128xf32, #tpu.memory_space<hbm>>
      %dma_wait3A_840 = arith.constant 0 : i32
      %dma_wait3A_841 = tpu.memref_slice %arg2[%min3A_837, %dma_wait3A_840] : memref<320000x128xf32, #tpu.memory_space<hbm>> -> memref<80x128xf32, #tpu.memory_space<hbm>>
      tpu.wait_dma2 semaphore(%arg18 : memref<!tpu.dma_semaphore, #tpu.memory_space<semaphore_mem>>) src(%dma_wait3A_841 : memref<80x128xf32, #tpu.memory_space<hbm>>) dst(%arg9 : memref<80x128xf32, #tpu.memory_space<vmem>>)
      %dma_wait3A_842 = tpu.memref_slice %arg3[%min3A_837] : memref<320000xi32, #tpu.memory_space<hbm>> -> memref<80xi32, #tpu.memory_space<hbm>>
      %dma_wait3A_843 = tpu.memref_slice %arg3[%min3A_837] : memref<320000xi32, #tpu.memory_space<hbm>> -> memref<80xi32, #tpu.memory_space<hbm>>
      tpu.wait_dma2 semaphore(%arg18 : memref<!tpu.dma_semaphore, #tpu.memory_space<semaphore_mem>>) src(%dma_wait3A_843 : memref<80xi32, #tpu.memory_space<hbm>>) dst(%arg12 : memref<80xi32, #tpu.memory_space<vmem>>)
      %get3A_844 = arith.constant 0 : index
      %get3A_845 = tpu.vector_load %arg12[%get3A_844] {strides = array<i32>} : memref<80xi32, #tpu.memory_space<vmem>>, vector<16xi32>,
      %get3A_846 = vector.shape_cast %get3A_845 : vector<16xi32> to vector<16xi32>
      %sub3A_847 = vector.broadcast %mul3A_2 : i32 to vector<16xi32>
      %sub3A_848 = arith.subi %get3A_846, %sub3A_847 : vector<16xi32>
      %ge3A_849 = arith.constant 0 : i32
      %ge3A_850 = vector.broadcast %ge3A_849 : i32 to vector<16xi32>
      %ge3A_851 = arith.cmpi sge, %sub3A_848, %ge3A_850 : vector<16xi32>
      %lt3A_852 = arith.constant 5000 : i32
      %lt3A_853 = vector.broadcast %lt3A_852 : i32 to vector<16xi32>
      %lt3A_854 = arith.cmpi slt, %sub3A_848, %lt3A_853 : vector<16xi32>
      %and3A_855 = arith.andi %ge3A_851, %lt3A_854 : vector<16xi1>
      %jit3A_856 = arith.constant 5000 : i32
      %broadcast_in_dim3A_857 = vector.broadcast %jit3A_856 : i32 to vector<16xi32>
      %select_n3A_858 = arith.select %and3A_855, %sub3A_848, %broadcast_in_dim3A_857 : vector<16xi1>, vector<16xi32>
      %swap3A_859 = arith.constant 0 : index
      %swap3A_860 = tpu.vector_load %arg12[%swap3A_859] {strides = array<i32>} : memref<80xi32, #tpu.memory_space<vmem>>, vector<16xi32>,
      %swap3A_861 = vector.shape_cast %swap3A_860 : vector<16xi32> to vector<16xi32>
      %swap3A_862 = vector.shape_cast %select_n3A_858 : vector<16xi32> to vector<16xi32>
      tpu.vector_store %arg12[%swap3A_859], %swap3A_862 {strides = array<i32>} : memref<80xi32, #tpu.memory_space<vmem>>, vector<16xi32>,
      %get3A_863 = arith.constant 16 : index
      %get3A_864 = tpu.vector_load %arg12[%get3A_863] {strides = array<i32>} : memref<80xi32, #tpu.memory_space<vmem>>, vector<16xi32>,
      %get3A_865 = vector.shape_cast %get3A_864 : vector<16xi32> to vector<16xi32>
      %sub3A_866 = vector.broadcast %mul3A_2 : i32 to vector<16xi32>
      %sub3A_867 = arith.subi %get3A_865, %sub3A_866 : vector<16xi32>
      %ge3A_868 = arith.constant 0 : i32
      %ge3A_869 = vector.broadcast %ge3A_868 : i32 to vector<16xi32>
      %ge3A_870 = arith.cmpi sge, %sub3A_867, %ge3A_869 : vector<16xi32>
      %lt3A_871 = arith.constant 5000 : i32
      %lt3A_872 = vector.broadcast %lt3A_871 : i32 to vector<16xi32>
      %lt3A_873 = arith.cmpi slt, %sub3A_867, %lt3A_872 : vector<16xi32>
      %and3A_874 = arith.andi %ge3A_870, %lt3A_873 : vector<16xi1>
      %jit3A_875 = arith.constant 5000 : i32
      %broadcast_in_dim3A_876 = vector.broadcast %jit3A_875 : i32 to vector<16xi32>
      %select_n3A_877 = arith.select %and3A_874, %sub3A_867, %broadcast_in_dim3A_876 : vector<16xi1>, vector<16xi32>
      %swap3A_878 = arith.constant 16 : index
      %swap3A_879 = tpu.vector_load %arg12[%swap3A_878] {strides = array<i32>} : memref<80xi32, #tpu.memory_space<vmem>>, vector<16xi32>,
      %swap3A_880 = vector.shape_cast %swap3A_879 : vector<16xi32> to vector<16xi32>
      %swap3A_881 = vector.shape_cast %select_n3A_877 : vector<16xi32> to vector<16xi32>
      tpu.vector_store %arg12[%swap3A_878], %swap3A_881 {strides = array<i32>} : memref<80xi32, #tpu.memory_space<vmem>>, vector<16xi32>,
      %get3A_882 = arith.constant 32 : index
      %get3A_883 = tpu.vector_load %arg12[%get3A_882] {strides = array<i32>} : memref<80xi32, #tpu.memory_space<vmem>>, vector<16xi32>,
      %get3A_884 = vector.shape_cast %get3A_883 : vector<16xi32> to vector<16xi32>
      %sub3A_885 = vector.broadcast %mul3A_2 : i32 to vector<16xi32>
      %sub3A_886 = arith.subi %get3A_884, %sub3A_885 : vector<16xi32>
      %ge3A_887 = arith.constant 0 : i32
      %ge3A_888 = vector.broadcast %ge3A_887 : i32 to vector<16xi32>
      %ge3A_889 = arith.cmpi sge, %sub3A_886, %ge3A_888 : vector<16xi32>
      %lt3A_890 = arith.constant 5000 : i32
      %lt3A_891 = vector.broadcast %lt3A_890 : i32 to vector<16xi32>
      %lt3A_892 = arith.cmpi slt, %sub3A_886, %lt3A_891 : vector<16xi32>
      %and3A_893 = arith.andi %ge3A_889, %lt3A_892 : vector<16xi1>
      %jit3A_894 = arith.constant 5000 : i32
      %broadcast_in_dim3A_895 = vector.broadcast %jit3A_894 : i32 to vector<16xi32>
      %select_n3A_896 = arith.select %and3A_893, %sub3A_886, %broadcast_in_dim3A_895 : vector<16xi1>, vector<16xi32>
      %swap3A_897 = arith.constant 32 : index
      %swap3A_898 = tpu.vector_load %arg12[%swap3A_897] {strides = array<i32>} : memref<80xi32, #tpu.memory_space<vmem>>, vector<16xi32>,
      %swap3A_899 = vector.shape_cast %swap3A_898 : vector<16xi32> to vector<16xi32>
      %swap3A_900 = vector.shape_cast %select_n3A_896 : vector<16xi32> to vector<16xi32>
      tpu.vector_store %arg12[%swap3A_897], %swap3A_900 {strides = array<i32>} : memref<80xi32, #tpu.memory_space<vmem>>, vector<16xi32>,
      %get3A_901 = arith.constant 48 : index
      %get3A_902 = tpu.vector_load %arg12[%get3A_901] {strides = array<i32>} : memref<80xi32, #tpu.memory_space<vmem>>, vector<16xi32>,
      %get3A_903 = vector.shape_cast %get3A_902 : vector<16xi32> to vector<16xi32>
      %sub3A_904 = vector.broadcast %mul3A_2 : i32 to vector<16xi32>
      %sub3A_905 = arith.subi %get3A_903, %sub3A_904 : vector<16xi32>
      %ge3A_906 = arith.constant 0 : i32
      %ge3A_907 = vector.broadcast %ge3A_906 : i32 to vector<16xi32>
      %ge3A_908 = arith.cmpi sge, %sub3A_905, %ge3A_907 : vector<16xi32>
      %lt3A_909 = arith.constant 5000 : i32
      %lt3A_910 = vector.broadcast %lt3A_909 : i32 to vector<16xi32>
      %lt3A_911 = arith.cmpi slt, %sub3A_905, %lt3A_910 : vector<16xi32>
      %and3A_912 = arith.andi %ge3A_908, %lt3A_911 : vector<16xi1>
      %jit3A_913 = arith.constant 5000 : i32
      %broadcast_in_dim3A_914 = vector.broadcast %jit3A_913 : i32 to vector<16xi32>
      %select_n3A_915 = arith.select %and3A_912, %sub3A_905, %broadcast_in_dim3A_914 : vector<16xi1>, vector<16xi32>
      %swap3A_916 = arith.constant 48 : index
      %swap3A_917 = tpu.vector_load %arg12[%swap3A_916] {strides = array<i32>} : memref<80xi32, #tpu.memory_space<vmem>>, vector<16xi32>,
      %swap3A_918 = vector.shape_cast %swap3A_917 : vector<16xi32> to vector<16xi32>
      %swap3A_919 = vector.shape_cast %select_n3A_915 : vector<16xi32> to vector<16xi32>
      tpu.vector_store %arg12[%swap3A_916], %swap3A_919 {strides = array<i32>} : memref<80xi32, #tpu.memory_space<vmem>>, vector<16xi32>,
      %get3A_920 = arith.constant 64 : index
      %get3A_921 = tpu.vector_load %arg12[%get3A_920] {strides = array<i32>} : memref<80xi32, #tpu.memory_space<vmem>>, vector<16xi32>,
      %get3A_922 = vector.shape_cast %get3A_921 : vector<16xi32> to vector<16xi32>
      %sub3A_923 = vector.broadcast %mul3A_2 : i32 to vector<16xi32>
      %sub3A_924 = arith.subi %get3A_922, %sub3A_923 : vector<16xi32>
      %ge3A_925 = arith.constant 0 : i32
      %ge3A_926 = vector.broadcast %ge3A_925 : i32 to vector<16xi32>
      %ge3A_927 = arith.cmpi sge, %sub3A_924, %ge3A_926 : vector<16xi32>
      %lt3A_928 = arith.constant 5000 : i32
      %lt3A_929 = vector.broadcast %lt3A_928 : i32 to vector<16xi32>
      %lt3A_930 = arith.cmpi slt, %sub3A_924, %lt3A_929 : vector<16xi32>
      %and3A_931 = arith.andi %ge3A_927, %lt3A_930 : vector<16xi1>
      %jit3A_932 = arith.constant 5000 : i32
      %broadcast_in_dim3A_933 = vector.broadcast %jit3A_932 : i32 to vector<16xi32>
      %select_n3A_934 = arith.select %and3A_931, %sub3A_924, %broadcast_in_dim3A_933 : vector<16xi1>, vector<16xi32>
      %swap3A_935 = arith.constant 64 : index
      %swap3A_936 = tpu.vector_load %arg12[%swap3A_935] {strides = array<i32>} : memref<80xi32, #tpu.memory_space<vmem>>, vector<16xi32>,
      %swap3A_937 = vector.shape_cast %swap3A_936 : vector<16xi32> to vector<16xi32>
      %swap3A_938 = vector.shape_cast %select_n3A_934 : vector<16xi32> to vector<16xi32>
      tpu.vector_store %arg12[%swap3A_935], %swap3A_938 {strides = array<i32>} : memref<80xi32, #tpu.memory_space<vmem>>, vector<16xi32>,
      %dma_wait3A_939 = arith.constant 0 : i32
      %dma_wait3A_940 = arith.constant 0 : i32
      %dma_wait3A_941 = tpu.memref_slice %arg15[%dma_wait3A_939, %dma_wait3A_940] : memref<5120x128xf32, #tpu.memory_space<vmem_shared>> -> memref<5120x128xf32, #tpu.memory_space<vmem_shared>>
      tpu.wait_indirect_dma semaphore(%arg22 : memref<!tpu.dma_semaphore, #tpu.memory_space<semaphore_mem>>) src(%arg10 : memref<80x128xf32, #tpu.memory_space<vmem>>) dst(%dma_wait3A_941 : memref<5120x128xf32, #tpu.memory_space<vmem_shared>>)
      %add3A_942 = arith.constant 1 : i32
      %add3A_943 = arith.addi %add3A_830, %add3A_942 : i32
      %mul3A_944 = arith.constant 20000 : i32
      %mul3A_945 = arith.muli %arg1, %mul3A_944 : i32
      %mul3A_946 = arith.constant 80 : i32
      %mul3A_947 = arith.muli %add3A_943, %mul3A_946 : i32
      %add3A_948 = arith.addi %mul3A_945, %mul3A_947 : i32
      %min3A_949 = arith.constant 319920 : i32
      %min3A_950 = arith.minsi %add3A_948, %min3A_949 : i32
      %dma_start3A_951 = arith.constant 0 : i32
      %dma_start3A_952 = tpu.memref_slice %arg2[%min3A_950, %dma_start3A_951] : memref<320000x128xf32, #tpu.memory_space<hbm>> -> memref<80x128xf32, #tpu.memory_space<hbm>>
      %dma_start3A_953 = arith.constant 0 : i32
      %dma_start3A_954 = tpu.memref_slice %arg2[%min3A_950, %dma_start3A_953] : memref<320000x128xf32, #tpu.memory_space<hbm>> -> memref<80x128xf32, #tpu.memory_space<hbm>>
      tpu.enqueue_dma source(%dma_start3A_954 : memref<80x128xf32, #tpu.memory_space<hbm>>) target(%arg10 : memref<80x128xf32, #tpu.memory_space<vmem>>) target_semaphore(%arg19 : memref<!tpu.dma_semaphore, #tpu.memory_space<semaphore_mem>>)
      %dma_start3A_955 = tpu.memref_slice %arg3[%min3A_950] : memref<320000xi32, #tpu.memory_space<hbm>> -> memref<80xi32, #tpu.memory_space<hbm>>
      %dma_start3A_956 = tpu.memref_slice %arg3[%min3A_950] : memref<320000xi32, #tpu.memory_space<hbm>> -> memref<80xi32, #tpu.memory_space<hbm>>
      tpu.enqueue_dma source(%dma_start3A_956 : memref<80xi32, #tpu.memory_space<hbm>>) target(%arg13 : memref<80xi32, #tpu.memory_space<vmem>>) target_semaphore(%arg19 : memref<!tpu.dma_semaphore, #tpu.memory_space<semaphore_mem>>)
      %dma_start3A_957 = arith.constant 0 : i32
      %dma_start3A_958 = arith.constant 0 : i32
      %dma_start3A_959 = tpu.memref_slice %arg15[%dma_start3A_957, %dma_start3A_958] : memref<5120x128xf32, #tpu.memory_space<vmem_shared>> -> memref<5120x128xf32, #tpu.memory_space<vmem_shared>>
      tpu.enqueue_indirect_dma source(%arg9 : memref<80x128xf32, #tpu.memory_space<vmem>>) target(%dma_start3A_959 : memref<5120x128xf32, #tpu.memory_space<vmem_shared>>) offsets(%arg12 : memref<80xi32, #tpu.memory_space<vmem>>) semaphore(%arg21 : memref<!tpu.dma_semaphore, #tpu.memory_space<semaphore_mem>>) {add = true}
    }
    %scan3A_266 = arith.constant 82 : i32
    %mul3A_267 = arith.constant 20000 : i32
    %mul3A_268 = arith.muli %arg1, %mul3A_267 : i32
    %add3A_269 = arith.constant 19840 : i32
    %add3A_270 = arith.addi %mul3A_268, %add3A_269 : i32
    %min3A_271 = arith.constant 319920 : i32
    %min3A_272 = arith.minsi %add3A_270, %min3A_271 : i32
    %dma_wait3A_273 = arith.constant 0 : i32
    %dma_wait3A_274 = tpu.memref_slice %arg2[%min3A_272, %dma_wait3A_273] : memref<320000x128xf32, #tpu.memory_space<hbm>> -> memref<80x128xf32, #tpu.memory_space<hbm>>
    %dma_wait3A_275 = arith.constant 0 : i32
    %dma_wait3A_276 = tpu.memref_slice %arg2[%min3A_272, %dma_wait3A_275] : memref<320000x128xf32, #tpu.memory_space<hbm>> -> memref<80x128xf32, #tpu.memory_space<hbm>>
    tpu.wait_dma2 semaphore(%arg19 : memref<!tpu.dma_semaphore, #tpu.memory_space<semaphore_mem>>) src(%dma_wait3A_276 : memref<80x128xf32, #tpu.memory_space<hbm>>) dst(%arg10 : memref<80x128xf32, #tpu.memory_space<vmem>>)
    %dma_wait3A_277 = tpu.memref_slice %arg3[%min3A_272] : memref<320000xi32, #tpu.memory_space<hbm>> -> memref<80xi32, #tpu.memory_space<hbm>>
    %dma_wait3A_278 = tpu.memref_slice %arg3[%min3A_272] : memref<320000xi32, #tpu.memory_space<hbm>> -> memref<80xi32, #tpu.memory_space<hbm>>
    tpu.wait_dma2 semaphore(%arg19 : memref<!tpu.dma_semaphore, #tpu.memory_space<semaphore_mem>>) src(%dma_wait3A_278 : memref<80xi32, #tpu.memory_space<hbm>>) dst(%arg13 : memref<80xi32, #tpu.memory_space<vmem>>)
    %get3A_279 = arith.constant 0 : index
    %get3A_280 = tpu.vector_load %arg13[%get3A_279] {strides = array<i32>} : memref<80xi32, #tpu.memory_space<vmem>>, vector<16xi32>,
    %get3A_281 = vector.shape_cast %get3A_280 : vector<16xi32> to vector<16xi32>
    %sub3A_282 = vector.broadcast %mul3A_2 : i32 to vector<16xi32>
    %sub3A_283 = arith.subi %get3A_281, %sub3A_282 : vector<16xi32>
    %ge3A_284 = arith.constant 0 : i32
    %ge3A_285 = vector.broadcast %ge3A_284 : i32 to vector<16xi32>
    %ge3A_286 = arith.cmpi sge, %sub3A_283, %ge3A_285 : vector<16xi32>
    %lt3A_287 = arith.constant 5000 : i32
    %lt3A_288 = vector.broadcast %lt3A_287 : i32 to vector<16xi32>
    %lt3A_289 = arith.cmpi slt, %sub3A_283, %lt3A_288 : vector<16xi32>
    %and3A_290 = arith.andi %ge3A_286, %lt3A_289 : vector<16xi1>
    %jit3A_291 = arith.constant 5000 : i32
    %broadcast_in_dim3A_292 = vector.broadcast %jit3A_291 : i32 to vector<16xi32>
    %select_n3A_293 = arith.select %and3A_290, %sub3A_283, %broadcast_in_dim3A_292 : vector<16xi1>, vector<16xi32>
    %swap3A_294 = arith.constant 0 : index
    %swap3A_295 = tpu.vector_load %arg13[%swap3A_294] {strides = array<i32>} : memref<80xi32, #tpu.memory_space<vmem>>, vector<16xi32>,
    %swap3A_296 = vector.shape_cast %swap3A_295 : vector<16xi32> to vector<16xi32>
    %swap3A_297 = vector.shape_cast %select_n3A_293 : vector<16xi32> to vector<16xi32>
    tpu.vector_store %arg13[%swap3A_294], %swap3A_297 {strides = array<i32>} : memref<80xi32, #tpu.memory_space<vmem>>, vector<16xi32>,
    %get3A_298 = arith.constant 16 : index
    %get3A_299 = tpu.vector_load %arg13[%get3A_298] {strides = array<i32>} : memref<80xi32, #tpu.memory_space<vmem>>, vector<16xi32>,
    %get3A_300 = vector.shape_cast %get3A_299 : vector<16xi32> to vector<16xi32>
    %sub3A_301 = vector.broadcast %mul3A_2 : i32 to vector<16xi32>
    %sub3A_302 = arith.subi %get3A_300, %sub3A_301 : vector<16xi32>
    %ge3A_303 = arith.constant 0 : i32
    %ge3A_304 = vector.broadcast %ge3A_303 : i32 to vector<16xi32>
    %ge3A_305 = arith.cmpi sge, %sub3A_302, %ge3A_304 : vector<16xi32>
    %lt3A_306 = arith.constant 5000 : i32
    %lt3A_307 = vector.broadcast %lt3A_306 : i32 to vector<16xi32>
    %lt3A_308 = arith.cmpi slt, %sub3A_302, %lt3A_307 : vector<16xi32>
    %and3A_309 = arith.andi %ge3A_305, %lt3A_308 : vector<16xi1>
    %jit3A_310 = arith.constant 5000 : i32
    %broadcast_in_dim3A_311 = vector.broadcast %jit3A_310 : i32 to vector<16xi32>
    %select_n3A_312 = arith.select %and3A_309, %sub3A_302, %broadcast_in_dim3A_311 : vector<16xi1>, vector<16xi32>
    %swap3A_313 = arith.constant 16 : index
    %swap3A_314 = tpu.vector_load %arg13[%swap3A_313] {strides = array<i32>} : memref<80xi32, #tpu.memory_space<vmem>>, vector<16xi32>,
    %swap3A_315 = vector.shape_cast %swap3A_314 : vector<16xi32> to vector<16xi32>
    %swap3A_316 = vector.shape_cast %select_n3A_312 : vector<16xi32> to vector<16xi32>
    tpu.vector_store %arg13[%swap3A_313], %swap3A_316 {strides = array<i32>} : memref<80xi32, #tpu.memory_space<vmem>>, vector<16xi32>,
    %get3A_317 = arith.constant 32 : index
    %get3A_318 = tpu.vector_load %arg13[%get3A_317] {strides = array<i32>} : memref<80xi32, #tpu.memory_space<vmem>>, vector<16xi32>,
    %get3A_319 = vector.shape_cast %get3A_318 : vector<16xi32> to vector<16xi32>
    %sub3A_320 = vector.broadcast %mul3A_2 : i32 to vector<16xi32>
    %sub3A_321 = arith.subi %get3A_319, %sub3A_320 : vector<16xi32>
    %ge3A_322 = arith.constant 0 : i32
    %ge3A_323 = vector.broadcast %ge3A_322 : i32 to vector<16xi32>
    %ge3A_324 = arith.cmpi sge, %sub3A_321, %ge3A_323 : vector<16xi32>
    %lt3A_325 = arith.constant 5000 : i32
    %lt3A_326 = vector.broadcast %lt3A_325 : i32 to vector<16xi32>
    %lt3A_327 = arith.cmpi slt, %sub3A_321, %lt3A_326 : vector<16xi32>
    %and3A_328 = arith.andi %ge3A_324, %lt3A_327 : vector<16xi1>
    %jit3A_329 = arith.constant 5000 : i32
    %broadcast_in_dim3A_330 = vector.broadcast %jit3A_329 : i32 to vector<16xi32>
    %select_n3A_331 = arith.select %and3A_328, %sub3A_321, %broadcast_in_dim3A_330 : vector<16xi1>, vector<16xi32>
    %swap3A_332 = arith.constant 32 : index
    %swap3A_333 = tpu.vector_load %arg13[%swap3A_332] {strides = array<i32>} : memref<80xi32, #tpu.memory_space<vmem>>, vector<16xi32>,
    %swap3A_334 = vector.shape_cast %swap3A_333 : vector<16xi32> to vector<16xi32>
    %swap3A_335 = vector.shape_cast %select_n3A_331 : vector<16xi32> to vector<16xi32>
    tpu.vector_store %arg13[%swap3A_332], %swap3A_335 {strides = array<i32>} : memref<80xi32, #tpu.memory_space<vmem>>, vector<16xi32>,
    %get3A_336 = arith.constant 48 : index
    %get3A_337 = tpu.vector_load %arg13[%get3A_336] {strides = array<i32>} : memref<80xi32, #tpu.memory_space<vmem>>, vector<16xi32>,
    %get3A_338 = vector.shape_cast %get3A_337 : vector<16xi32> to vector<16xi32>
    %sub3A_339 = vector.broadcast %mul3A_2 : i32 to vector<16xi32>
    %sub3A_340 = arith.subi %get3A_338, %sub3A_339 : vector<16xi32>
    %ge3A_341 = arith.constant 0 : i32
    %ge3A_342 = vector.broadcast %ge3A_341 : i32 to vector<16xi32>
    %ge3A_343 = arith.cmpi sge, %sub3A_340, %ge3A_342 : vector<16xi32>
    %lt3A_344 = arith.constant 5000 : i32
    %lt3A_345 = vector.broadcast %lt3A_344 : i32 to vector<16xi32>
    %lt3A_346 = arith.cmpi slt, %sub3A_340, %lt3A_345 : vector<16xi32>
    %and3A_347 = arith.andi %ge3A_343, %lt3A_346 : vector<16xi1>
    %jit3A_348 = arith.constant 5000 : i32
    %broadcast_in_dim3A_349 = vector.broadcast %jit3A_348 : i32 to vector<16xi32>
    %select_n3A_350 = arith.select %and3A_347, %sub3A_340, %broadcast_in_dim3A_349 : vector<16xi1>, vector<16xi32>
    %swap3A_351 = arith.constant 48 : index
    %swap3A_352 = tpu.vector_load %arg13[%swap3A_351] {strides = array<i32>} : memref<80xi32, #tpu.memory_space<vmem>>, vector<16xi32>,
    %swap3A_353 = vector.shape_cast %swap3A_352 : vector<16xi32> to vector<16xi32>
    %swap3A_354 = vector.shape_cast %select_n3A_350 : vector<16xi32> to vector<16xi32>
    tpu.vector_store %arg13[%swap3A_351], %swap3A_354 {strides = array<i32>} : memref<80xi32, #tpu.memory_space<vmem>>, vector<16xi32>,
    %get3A_355 = arith.constant 64 : index
    %get3A_356 = tpu.vector_load %arg13[%get3A_355] {strides = array<i32>} : memref<80xi32, #tpu.memory_space<vmem>>, vector<16xi32>,
    %get3A_357 = vector.shape_cast %get3A_356 : vector<16xi32> to vector<16xi32>
    %sub3A_358 = vector.broadcast %mul3A_2 : i32 to vector<16xi32>
    %sub3A_359 = arith.subi %get3A_357, %sub3A_358 : vector<16xi32>
    %ge3A_360 = arith.constant 0 : i32
    %ge3A_361 = vector.broadcast %ge3A_360 : i32 to vector<16xi32>
    %ge3A_362 = arith.cmpi sge, %sub3A_359, %ge3A_361 : vector<16xi32>
    %lt3A_363 = arith.constant 5000 : i32
    %lt3A_364 = vector.broadcast %lt3A_363 : i32 to vector<16xi32>
    %lt3A_365 = arith.cmpi slt, %sub3A_359, %lt3A_364 : vector<16xi32>
    %and3A_366 = arith.andi %ge3A_362, %lt3A_365 : vector<16xi1>
    %jit3A_367 = arith.constant 5000 : i32
    %broadcast_in_dim3A_368 = vector.broadcast %jit3A_367 : i32 to vector<16xi32>
    %select_n3A_369 = arith.select %and3A_366, %sub3A_359, %broadcast_in_dim3A_368 : vector<16xi1>, vector<16xi32>
    %swap3A_370 = arith.constant 64 : index
    %swap3A_371 = tpu.vector_load %arg13[%swap3A_370] {strides = array<i32>} : memref<80xi32, #tpu.memory_space<vmem>>, vector<16xi32>,
    %swap3A_372 = vector.shape_cast %swap3A_371 : vector<16xi32> to vector<16xi32>
    %swap3A_373 = vector.shape_cast %select_n3A_369 : vector<16xi32> to vector<16xi32>
    tpu.vector_store %arg13[%swap3A_370], %swap3A_373 {strides = array<i32>} : memref<80xi32, #tpu.memory_space<vmem>>, vector<16xi32>,
    %dma_wait3A_374 = arith.constant 0 : i32
    %dma_wait3A_375 = arith.constant 0 : i32
    %dma_wait3A_376 = tpu.memref_slice %arg15[%dma_wait3A_374, %dma_wait3A_375] : memref<5120x128xf32, #tpu.memory_space<vmem_shared>> -> memref<5120x128xf32, #tpu.memory_space<vmem_shared>>
    tpu.wait_indirect_dma semaphore(%arg20 : memref<!tpu.dma_semaphore, #tpu.memory_space<semaphore_mem>>) src(%arg8 : memref<80x128xf32, #tpu.memory_space<vmem>>) dst(%dma_wait3A_376 : memref<5120x128xf32, #tpu.memory_space<vmem_shared>>)
    %mul3A_377 = arith.constant 20000 : i32
    %mul3A_378 = arith.muli %arg1, %mul3A_377 : i32
    %add3A_379 = arith.constant 19920 : i32
    %add3A_380 = arith.addi %mul3A_378, %add3A_379 : i32
    %min3A_381 = arith.constant 319920 : i32
    %min3A_382 = arith.minsi %add3A_380, %min3A_381 : i32
    %dma_start3A_383 = arith.constant 0 : i32
    %dma_start3A_384 = tpu.memref_slice %arg2[%min3A_382, %dma_start3A_383] : memref<320000x128xf32, #tpu.memory_space<hbm>> -> memref<80x128xf32, #tpu.memory_space<hbm>>
    %dma_start3A_385 = arith.constant 0 : i32
    %dma_start3A_386 = tpu.memref_slice %arg2[%min3A_382, %dma_start3A_385] : memref<320000x128xf32, #tpu.memory_space<hbm>> -> memref<80x128xf32, #tpu.memory_space<hbm>>
    tpu.enqueue_dma source(%dma_start3A_386 : memref<80x128xf32, #tpu.memory_space<hbm>>) target(%arg8 : memref<80x128xf32, #tpu.memory_space<vmem>>) target_semaphore(%arg17 : memref<!tpu.dma_semaphore, #tpu.memory_space<semaphore_mem>>)
    %dma_start3A_387 = tpu.memref_slice %arg3[%min3A_382] : memref<320000xi32, #tpu.memory_space<hbm>> -> memref<80xi32, #tpu.memory_space<hbm>>
    %dma_start3A_388 = tpu.memref_slice %arg3[%min3A_382] : memref<320000xi32, #tpu.memory_space<hbm>> -> memref<80xi32, #tpu.memory_space<hbm>>
    tpu.enqueue_dma source(%dma_start3A_388 : memref<80xi32, #tpu.memory_space<hbm>>) target(%arg11 : memref<80xi32, #tpu.memory_space<vmem>>) target_semaphore(%arg17 : memref<!tpu.dma_semaphore, #tpu.memory_space<semaphore_mem>>)
    %dma_start3A_389 = arith.constant 0 : i32
    %dma_start3A_390 = arith.constant 0 : i32
    %dma_start3A_391 = tpu.memref_slice %arg15[%dma_start3A_389, %dma_start3A_390] : memref<5120x128xf32, #tpu.memory_space<vmem_shared>> -> memref<5120x128xf32, #tpu.memory_space<vmem_shared>>
    tpu.enqueue_indirect_dma source(%arg10 : memref<80x128xf32, #tpu.memory_space<vmem>>) target(%dma_start3A_391 : memref<5120x128xf32, #tpu.memory_space<vmem_shared>>) offsets(%arg13 : memref<80xi32, #tpu.memory_space<vmem>>) semaphore(%arg22 : memref<!tpu.dma_semaphore, #tpu.memory_space<semaphore_mem>>) {add = true}
    %mul3A_392 = arith.constant 20000 : i32
    %mul3A_393 = arith.muli %arg1, %mul3A_392 : i32
    %add3A_394 = arith.constant 19920 : i32
    %add3A_395 = arith.addi %mul3A_393, %add3A_394 : i32
    %min3A_396 = arith.constant 319920 : i32
    %min3A_397 = arith.minsi %add3A_395, %min3A_396 : i32
    %dma_wait3A_398 = arith.constant 0 : i32
    %dma_wait3A_399 = tpu.memref_slice %arg2[%min3A_397, %dma_wait3A_398] : memref<320000x128xf32, #tpu.memory_space<hbm>> -> memref<80x128xf32, #tpu.memory_space<hbm>>
    %dma_wait3A_400 = arith.constant 0 : i32
    %dma_wait3A_401 = tpu.memref_slice %arg2[%min3A_397, %dma_wait3A_400] : memref<320000x128xf32, #tpu.memory_space<hbm>> -> memref<80x128xf32, #tpu.memory_space<hbm>>
    tpu.wait_dma2 semaphore(%arg17 : memref<!tpu.dma_semaphore, #tpu.memory_space<semaphore_mem>>) src(%dma_wait3A_401 : memref<80x128xf32, #tpu.memory_space<hbm>>) dst(%arg8 : memref<80x128xf32, #tpu.memory_space<vmem>>)
    %dma_wait3A_402 = tpu.memref_slice %arg3[%min3A_397] : memref<320000xi32, #tpu.memory_space<hbm>> -> memref<80xi32, #tpu.memory_space<hbm>>
    %dma_wait3A_403 = tpu.memref_slice %arg3[%min3A_397] : memref<320000xi32, #tpu.memory_space<hbm>> -> memref<80xi32, #tpu.memory_space<hbm>>
    tpu.wait_dma2 semaphore(%arg17 : memref<!tpu.dma_semaphore, #tpu.memory_space<semaphore_mem>>) src(%dma_wait3A_403 : memref<80xi32, #tpu.memory_space<hbm>>) dst(%arg11 : memref<80xi32, #tpu.memory_space<vmem>>)
    %get3A_404 = arith.constant 0 : index
    %get3A_405 = tpu.vector_load %arg11[%get3A_404] {strides = array<i32>} : memref<80xi32, #tpu.memory_space<vmem>>, vector<16xi32>,
    %get3A_406 = vector.shape_cast %get3A_405 : vector<16xi32> to vector<16xi32>
    %sub3A_407 = vector.broadcast %mul3A_2 : i32 to vector<16xi32>
    %sub3A_408 = arith.subi %get3A_406, %sub3A_407 : vector<16xi32>
    %ge3A_409 = arith.constant 0 : i32
    %ge3A_410 = vector.broadcast %ge3A_409 : i32 to vector<16xi32>
    %ge3A_411 = arith.cmpi sge, %sub3A_408, %ge3A_410 : vector<16xi32>
    %lt3A_412 = arith.constant 5000 : i32
    %lt3A_413 = vector.broadcast %lt3A_412 : i32 to vector<16xi32>
    %lt3A_414 = arith.cmpi slt, %sub3A_408, %lt3A_413 : vector<16xi32>
    %and3A_415 = arith.andi %ge3A_411, %lt3A_414 : vector<16xi1>
    %jit3A_416 = arith.constant 5000 : i32
    %broadcast_in_dim3A_417 = vector.broadcast %jit3A_416 : i32 to vector<16xi32>
    %select_n3A_418 = arith.select %and3A_415, %sub3A_408, %broadcast_in_dim3A_417 : vector<16xi1>, vector<16xi32>
    %swap3A_419 = arith.constant 0 : index
    %swap3A_420 = tpu.vector_load %arg11[%swap3A_419] {strides = array<i32>} : memref<80xi32, #tpu.memory_space<vmem>>, vector<16xi32>,
    %swap3A_421 = vector.shape_cast %swap3A_420 : vector<16xi32> to vector<16xi32>
    %swap3A_422 = vector.shape_cast %select_n3A_418 : vector<16xi32> to vector<16xi32>
    tpu.vector_store %arg11[%swap3A_419], %swap3A_422 {strides = array<i32>} : memref<80xi32, #tpu.memory_space<vmem>>, vector<16xi32>,
    %get3A_423 = arith.constant 16 : index
    %get3A_424 = tpu.vector_load %arg11[%get3A_423] {strides = array<i32>} : memref<80xi32, #tpu.memory_space<vmem>>, vector<16xi32>,
    %get3A_425 = vector.shape_cast %get3A_424 : vector<16xi32> to vector<16xi32>
    %sub3A_426 = vector.broadcast %mul3A_2 : i32 to vector<16xi32>
    %sub3A_427 = arith.subi %get3A_425, %sub3A_426 : vector<16xi32>
    %ge3A_428 = arith.constant 0 : i32
    %ge3A_429 = vector.broadcast %ge3A_428 : i32 to vector<16xi32>
    %ge3A_430 = arith.cmpi sge, %sub3A_427, %ge3A_429 : vector<16xi32>
    %lt3A_431 = arith.constant 5000 : i32
    %lt3A_432 = vector.broadcast %lt3A_431 : i32 to vector<16xi32>
    %lt3A_433 = arith.cmpi slt, %sub3A_427, %lt3A_432 : vector<16xi32>
    %and3A_434 = arith.andi %ge3A_430, %lt3A_433 : vector<16xi1>
    %jit3A_435 = arith.constant 5000 : i32
    %broadcast_in_dim3A_436 = vector.broadcast %jit3A_435 : i32 to vector<16xi32>
    %select_n3A_437 = arith.select %and3A_434, %sub3A_427, %broadcast_in_dim3A_436 : vector<16xi1>, vector<16xi32>
    %swap3A_438 = arith.constant 16 : index
    %swap3A_439 = tpu.vector_load %arg11[%swap3A_438] {strides = array<i32>} : memref<80xi32, #tpu.memory_space<vmem>>, vector<16xi32>,
    %swap3A_440 = vector.shape_cast %swap3A_439 : vector<16xi32> to vector<16xi32>
    %swap3A_441 = vector.shape_cast %select_n3A_437 : vector<16xi32> to vector<16xi32>
    tpu.vector_store %arg11[%swap3A_438], %swap3A_441 {strides = array<i32>} : memref<80xi32, #tpu.memory_space<vmem>>, vector<16xi32>,
    %get3A_442 = arith.constant 32 : index
    %get3A_443 = tpu.vector_load %arg11[%get3A_442] {strides = array<i32>} : memref<80xi32, #tpu.memory_space<vmem>>, vector<16xi32>,
    %get3A_444 = vector.shape_cast %get3A_443 : vector<16xi32> to vector<16xi32>
    %sub3A_445 = vector.broadcast %mul3A_2 : i32 to vector<16xi32>
    %sub3A_446 = arith.subi %get3A_444, %sub3A_445 : vector<16xi32>
    %ge3A_447 = arith.constant 0 : i32
    %ge3A_448 = vector.broadcast %ge3A_447 : i32 to vector<16xi32>
    %ge3A_449 = arith.cmpi sge, %sub3A_446, %ge3A_448 : vector<16xi32>
    %lt3A_450 = arith.constant 5000 : i32
    %lt3A_451 = vector.broadcast %lt3A_450 : i32 to vector<16xi32>
    %lt3A_452 = arith.cmpi slt, %sub3A_446, %lt3A_451 : vector<16xi32>
    %and3A_453 = arith.andi %ge3A_449, %lt3A_452 : vector<16xi1>
    %jit3A_454 = arith.constant 5000 : i32
    %broadcast_in_dim3A_455 = vector.broadcast %jit3A_454 : i32 to vector<16xi32>
    %select_n3A_456 = arith.select %and3A_453, %sub3A_446, %broadcast_in_dim3A_455 : vector<16xi1>, vector<16xi32>
    %swap3A_457 = arith.constant 32 : index
    %swap3A_458 = tpu.vector_load %arg11[%swap3A_457] {strides = array<i32>} : memref<80xi32, #tpu.memory_space<vmem>>, vector<16xi32>,
    %swap3A_459 = vector.shape_cast %swap3A_458 : vector<16xi32> to vector<16xi32>
    %swap3A_460 = vector.shape_cast %select_n3A_456 : vector<16xi32> to vector<16xi32>
    tpu.vector_store %arg11[%swap3A_457], %swap3A_460 {strides = array<i32>} : memref<80xi32, #tpu.memory_space<vmem>>, vector<16xi32>,
    %get3A_461 = arith.constant 48 : index
    %get3A_462 = tpu.vector_load %arg11[%get3A_461] {strides = array<i32>} : memref<80xi32, #tpu.memory_space<vmem>>, vector<16xi32>,
    %get3A_463 = vector.shape_cast %get3A_462 : vector<16xi32> to vector<16xi32>
    %sub3A_464 = vector.broadcast %mul3A_2 : i32 to vector<16xi32>
    %sub3A_465 = arith.subi %get3A_463, %sub3A_464 : vector<16xi32>
    %ge3A_466 = arith.constant 0 : i32
    %ge3A_467 = vector.broadcast %ge3A_466 : i32 to vector<16xi32>
    %ge3A_468 = arith.cmpi sge, %sub3A_465, %ge3A_467 : vector<16xi32>
    %lt3A_469 = arith.constant 5000 : i32
    %lt3A_470 = vector.broadcast %lt3A_469 : i32 to vector<16xi32>
    %lt3A_471 = arith.cmpi slt, %sub3A_465, %lt3A_470 : vector<16xi32>
    %and3A_472 = arith.andi %ge3A_468, %lt3A_471 : vector<16xi1>
    %jit3A_473 = arith.constant 5000 : i32
    %broadcast_in_dim3A_474 = vector.broadcast %jit3A_473 : i32 to vector<16xi32>
    %select_n3A_475 = arith.select %and3A_472, %sub3A_465, %broadcast_in_dim3A_474 : vector<16xi1>, vector<16xi32>
    %swap3A_476 = arith.constant 48 : index
    %swap3A_477 = tpu.vector_load %arg11[%swap3A_476] {strides = array<i32>} : memref<80xi32, #tpu.memory_space<vmem>>, vector<16xi32>,
    %swap3A_478 = vector.shape_cast %swap3A_477 : vector<16xi32> to vector<16xi32>
    %swap3A_479 = vector.shape_cast %select_n3A_475 : vector<16xi32> to vector<16xi32>
    tpu.vector_store %arg11[%swap3A_476], %swap3A_479 {strides = array<i32>} : memref<80xi32, #tpu.memory_space<vmem>>, vector<16xi32>,
    %get3A_480 = arith.constant 64 : index
    %get3A_481 = tpu.vector_load %arg11[%get3A_480] {strides = array<i32>} : memref<80xi32, #tpu.memory_space<vmem>>, vector<16xi32>,
    %get3A_482 = vector.shape_cast %get3A_481 : vector<16xi32> to vector<16xi32>
    %sub3A_483 = vector.broadcast %mul3A_2 : i32 to vector<16xi32>
    %sub3A_484 = arith.subi %get3A_482, %sub3A_483 : vector<16xi32>
    %ge3A_485 = arith.constant 0 : i32
    %ge3A_486 = vector.broadcast %ge3A_485 : i32 to vector<16xi32>
    %ge3A_487 = arith.cmpi sge, %sub3A_484, %ge3A_486 : vector<16xi32>
    %lt3A_488 = arith.constant 5000 : i32
    %lt3A_489 = vector.broadcast %lt3A_488 : i32 to vector<16xi32>
    %lt3A_490 = arith.cmpi slt, %sub3A_484, %lt3A_489 : vector<16xi32>
    %and3A_491 = arith.andi %ge3A_487, %lt3A_490 : vector<16xi1>
    %jit3A_492 = arith.constant 5000 : i32
    %broadcast_in_dim3A_493 = vector.broadcast %jit3A_492 : i32 to vector<16xi32>
    %select_n3A_494 = arith.select %and3A_491, %sub3A_484, %broadcast_in_dim3A_493 : vector<16xi1>, vector<16xi32>
    %swap3A_495 = arith.constant 64 : index
    %swap3A_496 = tpu.vector_load %arg11[%swap3A_495] {strides = array<i32>} : memref<80xi32, #tpu.memory_space<vmem>>, vector<16xi32>,
    %swap3A_497 = vector.shape_cast %swap3A_496 : vector<16xi32> to vector<16xi32>
    %swap3A_498 = vector.shape_cast %select_n3A_494 : vector<16xi32> to vector<16xi32>
    tpu.vector_store %arg11[%swap3A_495], %swap3A_498 {strides = array<i32>} : memref<80xi32, #tpu.memory_space<vmem>>, vector<16xi32>,
    %dma_wait3A_499 = arith.constant 0 : i32
    %dma_wait3A_500 = arith.constant 0 : i32
    %dma_wait3A_501 = tpu.memref_slice %arg15[%dma_wait3A_499, %dma_wait3A_500] : memref<5120x128xf32, #tpu.memory_space<vmem_shared>> -> memref<5120x128xf32, #tpu.memory_space<vmem_shared>>
    tpu.wait_indirect_dma semaphore(%arg21 : memref<!tpu.dma_semaphore, #tpu.memory_space<semaphore_mem>>) src(%arg9 : memref<80x128xf32, #tpu.memory_space<vmem>>) dst(%dma_wait3A_501 : memref<5120x128xf32, #tpu.memory_space<vmem_shared>>)
    %mul3A_502 = arith.constant 20000 : i32
    %mul3A_503 = arith.muli %arg1, %mul3A_502 : i32
    %add3A_504 = arith.constant 20000 : i32
    %add3A_505 = arith.addi %mul3A_503, %add3A_504 : i32
    %min3A_506 = arith.constant 319920 : i32
    %min3A_507 = arith.minsi %add3A_505, %min3A_506 : i32
    %dma_start3A_508 = arith.constant 0 : i32
    %dma_start3A_509 = tpu.memref_slice %arg2[%min3A_507, %dma_start3A_508] : memref<320000x128xf32, #tpu.memory_space<hbm>> -> memref<80x128xf32, #tpu.memory_space<hbm>>
    %dma_start3A_510 = arith.constant 0 : i32
    %dma_start3A_511 = tpu.memref_slice %arg2[%min3A_507, %dma_start3A_510] : memref<320000x128xf32, #tpu.memory_space<hbm>> -> memref<80x128xf32, #tpu.memory_space<hbm>>
    tpu.enqueue_dma source(%dma_start3A_511 : memref<80x128xf32, #tpu.memory_space<hbm>>) target(%arg9 : memref<80x128xf32, #tpu.memory_space<vmem>>) target_semaphore(%arg18 : memref<!tpu.dma_semaphore, #tpu.memory_space<semaphore_mem>>)
    %dma_start3A_512 = tpu.memref_slice %arg3[%min3A_507] : memref<320000xi32, #tpu.memory_space<hbm>> -> memref<80xi32, #tpu.memory_space<hbm>>
    %dma_start3A_513 = tpu.memref_slice %arg3[%min3A_507] : memref<320000xi32, #tpu.memory_space<hbm>> -> memref<80xi32, #tpu.memory_space<hbm>>
    tpu.enqueue_dma source(%dma_start3A_513 : memref<80xi32, #tpu.memory_space<hbm>>) target(%arg12 : memref<80xi32, #tpu.memory_space<vmem>>) target_semaphore(%arg18 : memref<!tpu.dma_semaphore, #tpu.memory_space<semaphore_mem>>)
    %dma_start3A_514 = arith.constant 0 : i32
    %dma_start3A_515 = arith.constant 0 : i32
    %dma_start3A_516 = tpu.memref_slice %arg15[%dma_start3A_514, %dma_start3A_515] : memref<5120x128xf32, #tpu.memory_space<vmem_shared>> -> memref<5120x128xf32, #tpu.memory_space<vmem_shared>>
    tpu.enqueue_indirect_dma source(%arg8 : memref<80x128xf32, #tpu.memory_space<vmem>>) target(%dma_start3A_516 : memref<5120x128xf32, #tpu.memory_space<vmem_shared>>) offsets(%arg11 : memref<80xi32, #tpu.memory_space<vmem>>) semaphore(%arg20 : memref<!tpu.dma_semaphore, #tpu.memory_space<semaphore_mem>>) {add = true}
    %dma_wait3A_517 = arith.constant 0 : i32
    %dma_wait3A_518 = arith.constant 0 : i32
    %dma_wait3A_519 = tpu.memref_slice %arg15[%dma_wait3A_517, %dma_wait3A_518] : memref<5120x128xf32, #tpu.memory_space<vmem_shared>> -> memref<5120x128xf32, #tpu.memory_space<vmem_shared>>
    tpu.wait_indirect_dma semaphore(%arg22 : memref<!tpu.dma_semaphore, #tpu.memory_space<semaphore_mem>>) src(%arg10 : memref<80x128xf32, #tpu.memory_space<vmem>>) dst(%dma_wait3A_519 : memref<5120x128xf32, #tpu.memory_space<vmem_shared>>)
    %dma_wait3A_520 = arith.constant 0 : i32
    %dma_wait3A_521 = arith.constant 0 : i32
    %dma_wait3A_522 = tpu.memref_slice %arg15[%dma_wait3A_520, %dma_wait3A_521] : memref<5120x128xf32, #tpu.memory_space<vmem_shared>> -> memref<5120x128xf32, #tpu.memory_space<vmem_shared>>
    tpu.wait_indirect_dma semaphore(%arg20 : memref<!tpu.dma_semaphore, #tpu.memory_space<semaphore_mem>>) src(%arg8 : memref<80x128xf32, #tpu.memory_space<vmem>>) dst(%dma_wait3A_522 : memref<5120x128xf32, #tpu.memory_space<vmem_shared>>)
    %mul3A_523 = arith.constant 20000 : i32
    %mul3A_524 = arith.muli %arg1, %mul3A_523 : i32
    %add3A_525 = arith.constant 20000 : i32
    %add3A_526 = arith.addi %mul3A_524, %add3A_525 : i32
    %min3A_527 = arith.constant 319920 : i32
    %min3A_528 = arith.minsi %add3A_526, %min3A_527 : i32
    %dma_wait3A_529 = arith.constant 0 : i32
    %dma_wait3A_530 = tpu.memref_slice %arg2[%min3A_528, %dma_wait3A_529] : memref<320000x128xf32, #tpu.memory_space<hbm>> -> memref<80x128xf32, #tpu.memory_space<hbm>>
    %dma_wait3A_531 = arith.constant 0 : i32
    %dma_wait3A_532 = tpu.memref_slice %arg2[%min3A_528, %dma_wait3A_531] : memref<320000x128xf32, #tpu.memory_space<hbm>> -> memref<80x128xf32, #tpu.memory_space<hbm>>
    tpu.wait_dma2 semaphore(%arg18 : memref<!tpu.dma_semaphore, #tpu.memory_space<semaphore_mem>>) src(%dma_wait3A_532 : memref<80x128xf32, #tpu.memory_space<hbm>>) dst(%arg9 : memref<80x128xf32, #tpu.memory_space<vmem>>)
    %dma_wait3A_533 = tpu.memref_slice %arg3[%min3A_528] : memref<320000xi32, #tpu.memory_space<hbm>> -> memref<80xi32, #tpu.memory_space<hbm>>
    %dma_wait3A_534 = tpu.memref_slice %arg3[%min3A_528] : memref<320000xi32, #tpu.memory_space<hbm>> -> memref<80xi32, #tpu.memory_space<hbm>>
    tpu.wait_dma2 semaphore(%arg18 : memref<!tpu.dma_semaphore, #tpu.memory_space<semaphore_mem>>) src(%dma_wait3A_534 : memref<80xi32, #tpu.memory_space<hbm>>) dst(%arg12 : memref<80xi32, #tpu.memory_space<vmem>>)
    %barrier3A_535 = arith.constant 0 : index
    tpu.barrier barrier_id(%barrier3A_535)
    %add3A_536 = arith.constant 0 : i32
    %add3A_537 = arith.addi %mul3A_0, %add3A_536 : i32
    %mul3A_538 = arith.constant 5120 : i32
    %mul3A_539 = arith.muli %arg0, %mul3A_538 : i32
    %add3A_540 = arith.addi %mul3A_539, %mul3A_0 : i32
    %add3A_541 = arith.constant 0 : i32
    %add3A_542 = arith.addi %add3A_540, %add3A_541 : i32
    "tpu.region"() ({
      %run_scoped3A = tpu.sem_alloc : memref<!tpu.dma_semaphore, #tpu.memory_space<semaphore_mem>>
      %dma_start3A_564 = arith.constant 0 : i32
      %dma_start3A_565 = tpu.memref_slice %arg15[%add3A_537, %dma_start3A_564] : memref<5120x128xf32, #tpu.memory_space<vmem_shared>> -> memref<80x128xf32, #tpu.memory_space<vmem_shared>>
      %dma_start3A_566 = arith.constant 0 : i32
      %dma_start3A_567 = tpu.memref_slice %arg15[%add3A_537, %dma_start3A_566] : memref<5120x128xf32, #tpu.memory_space<vmem_shared>> -> memref<80x128xf32, #tpu.memory_space<vmem_shared>>
      tpu.enqueue_dma source(%dma_start3A_567 : memref<80x128xf32, #tpu.memory_space<vmem_shared>>) target(%arg8 : memref<80x128xf32, #tpu.memory_space<vmem>>) target_semaphore(%run_scoped3A : memref<!tpu.dma_semaphore, #tpu.memory_space<semaphore_mem>>)
      %dma_wait3A_568 = arith.constant 0 : i32
      %dma_wait3A_569 = tpu.memref_slice %arg15[%add3A_537, %dma_wait3A_568] : memref<5120x128xf32, #tpu.memory_space<vmem_shared>> -> memref<80x128xf32, #tpu.memory_space<vmem_shared>>
      %dma_wait3A_570 = arith.constant 0 : i32
      %dma_wait3A_571 = tpu.memref_slice %arg15[%add3A_537, %dma_wait3A_570] : memref<5120x128xf32, #tpu.memory_space<vmem_shared>> -> memref<80x128xf32, #tpu.memory_space<vmem_shared>>
      tpu.wait_dma2 semaphore(%run_scoped3A : memref<!tpu.dma_semaphore, #tpu.memory_space<semaphore_mem>>) src(%dma_wait3A_571 : memref<80x128xf32, #tpu.memory_space<vmem_shared>>) dst(%arg8 : memref<80x128xf32, #tpu.memory_space<vmem>>)
      tpu.yield
    }) : () -> ()
    "tpu.region"() ({
      %run_scoped3A = tpu.sem_alloc : memref<!tpu.dma_semaphore, #tpu.memory_space<semaphore_mem>>
      %dma_start3A_564 = arith.constant 0 : i32
      %dma_start3A_565 = tpu.memref_slice %arg6[%add3A_542, %dma_start3A_564] : memref<10240x128xf32, #tpu.memory_space<hbm>> -> memref<80x128xf32, #tpu.memory_space<hbm>>
      %dma_start3A_566 = arith.constant 0 : i32
      %dma_start3A_567 = tpu.memref_slice %arg6[%add3A_542, %dma_start3A_566] : memref<10240x128xf32, #tpu.memory_space<hbm>> -> memref<80x128xf32, #tpu.memory_space<hbm>>
      tpu.enqueue_dma source(%arg8 : memref<80x128xf32, #tpu.memory_space<vmem>>) target(%dma_start3A_567 : memref<80x128xf32, #tpu.memory_space<hbm>>) target_semaphore(%run_scoped3A : memref<!tpu.dma_semaphore, #tpu.memory_space<semaphore_mem>>)
      %dma_wait3A_568 = arith.constant 0 : i32
      %dma_wait3A_569 = tpu.memref_slice %arg6[%add3A_542, %dma_wait3A_568] : memref<10240x128xf32, #tpu.memory_space<hbm>> -> memref<80x128xf32, #tpu.memory_space<hbm>>
      %dma_wait3A_570 = arith.constant 0 : i32
      %dma_wait3A_571 = tpu.memref_slice %arg6[%add3A_542, %dma_wait3A_570] : memref<10240x128xf32, #tpu.memory_space<hbm>> -> memref<80x128xf32, #tpu.memory_space<hbm>>
      tpu.wait_dma2 semaphore(%run_scoped3A : memref<!tpu.dma_semaphore, #tpu.memory_space<semaphore_mem>>) src(%arg8 : memref<80x128xf32, #tpu.memory_space<vmem>>) dst(%dma_wait3A_571 : memref<80x128xf32, #tpu.memory_space<hbm>>)
      tpu.yield
    }) : () -> ()
    "tpu.region"() ({
      %run_scoped3A = tpu.sem_alloc : memref<!tpu.dma_semaphore, #tpu.memory_space<semaphore_mem>>
      %dma_start3A_564 = arith.constant 0 : i32
      %dma_start3A_565 = tpu.memref_slice %arg16[%add3A_537, %dma_start3A_564] : memref<5120x128xf32, #tpu.memory_space<vmem_shared>> -> memref<80x128xf32, #tpu.memory_space<vmem_shared>>
      %dma_start3A_566 = arith.constant 0 : i32
      %dma_start3A_567 = tpu.memref_slice %arg16[%add3A_537, %dma_start3A_566] : memref<5120x128xf32, #tpu.memory_space<vmem_shared>> -> memref<80x128xf32, #tpu.memory_space<vmem_shared>>
      tpu.enqueue_dma source(%dma_start3A_567 : memref<80x128xf32, #tpu.memory_space<vmem_shared>>) target(%arg9 : memref<80x128xf32, #tpu.memory_space<vmem>>) target_semaphore(%run_scoped3A : memref<!tpu.dma_semaphore, #tpu.memory_space<semaphore_mem>>)
      %dma_wait3A_568 = arith.constant 0 : i32
      %dma_wait3A_569 = tpu.memref_slice %arg16[%add3A_537, %dma_wait3A_568] : memref<5120x128xf32, #tpu.memory_space<vmem_shared>> -> memref<80x128xf32, #tpu.memory_space<vmem_shared>>
      %dma_wait3A_570 = arith.constant 0 : i32
      %dma_wait3A_571 = tpu.memref_slice %arg16[%add3A_537, %dma_wait3A_570] : memref<5120x128xf32, #tpu.memory_space<vmem_shared>> -> memref<80x128xf32, #tpu.memory_space<vmem_shared>>
      tpu.wait_dma2 semaphore(%run_scoped3A : memref<!tpu.dma_semaphore, #tpu.memory_space<semaphore_mem>>) src(%dma_wait3A_571 : memref<80x128xf32, #tpu.memory_space<vmem_shared>>) dst(%arg9 : memref<80x128xf32, #tpu.memory_space<vmem>>)
      tpu.yield
    }) : () -> ()
    "tpu.region"() ({
      %run_scoped3A = tpu.sem_alloc : memref<!tpu.dma_semaphore, #tpu.memory_space<semaphore_mem>>
      %dma_start3A_564 = arith.constant 0 : i32
      %dma_start3A_565 = tpu.memref_slice %arg7[%add3A_542, %dma_start3A_564] : memref<10240x128xf32, #tpu.memory_space<hbm>> -> memref<80x128xf32, #tpu.memory_space<hbm>>
      %dma_start3A_566 = arith.constant 0 : i32
      %dma_start3A_567 = tpu.memref_slice %arg7[%add3A_542, %dma_start3A_566] : memref<10240x128xf32, #tpu.memory_space<hbm>> -> memref<80x128xf32, #tpu.memory_space<hbm>>
      tpu.enqueue_dma source(%arg9 : memref<80x128xf32, #tpu.memory_space<vmem>>) target(%dma_start3A_567 : memref<80x128xf32, #tpu.memory_space<hbm>>) target_semaphore(%run_scoped3A : memref<!tpu.dma_semaphore, #tpu.memory_space<semaphore_mem>>)
      %dma_wait3A_568 = arith.constant 0 : i32
      %dma_wait3A_569 = tpu.memref_slice %arg7[%add3A_542, %dma_wait3A_568] : memref<10240x128xf32, #tpu.memory_space<hbm>> -> memref<80x128xf32, #tpu.memory_space<hbm>>
      %dma_wait3A_570 = arith.constant 0 : i32
      %dma_wait3A_571 = tpu.memref_slice %arg7[%add3A_542, %dma_wait3A_570] : memref<10240x128xf32, #tpu.memory_space<hbm>> -> memref<80x128xf32, #tpu.memory_space<hbm>>
      tpu.wait_dma2 semaphore(%run_scoped3A : memref<!tpu.dma_semaphore, #tpu.memory_space<semaphore_mem>>) src(%arg9 : memref<80x128xf32, #tpu.memory_space<vmem>>) dst(%dma_wait3A_571 : memref<80x128xf32, #tpu.memory_space<hbm>>)
      tpu.yield
    }) : () -> ()
    %add3A_543 = arith.constant 80 : i32
    %add3A_544 = arith.addi %mul3A_0, %add3A_543 : i32
    %mul3A_545 = arith.constant 5120 : i32
    %mul3A_546 = arith.muli %arg0, %mul3A_545 : i32
    %add3A_547 = arith.addi %mul3A_546, %mul3A_0 : i32
    %add3A_548 = arith.constant 80 : i32
    %add3A_549 = arith.addi %add3A_547, %add3A_548 : i32
    "tpu.region"() ({
      %run_scoped3A = tpu.sem_alloc : memref<!tpu.dma_semaphore, #tpu.memory_space<semaphore_mem>>
      %dma_start3A_564 = arith.constant 0 : i32
      %dma_start3A_565 = tpu.memref_slice %arg15[%add3A_544, %dma_start3A_564] : memref<5120x128xf32, #tpu.memory_space<vmem_shared>> -> memref<80x128xf32, #tpu.memory_space<vmem_shared>>
      %dma_start3A_566 = arith.constant 0 : i32
      %dma_start3A_567 = tpu.memref_slice %arg15[%add3A_544, %dma_start3A_566] : memref<5120x128xf32, #tpu.memory_space<vmem_shared>> -> memref<80x128xf32, #tpu.memory_space<vmem_shared>>
      tpu.enqueue_dma source(%dma_start3A_567 : memref<80x128xf32, #tpu.memory_space<vmem_shared>>) target(%arg8 : memref<80x128xf32, #tpu.memory_space<vmem>>) target_semaphore(%run_scoped3A : memref<!tpu.dma_semaphore, #tpu.memory_space<semaphore_mem>>)
      %dma_wait3A_568 = arith.constant 0 : i32
      %dma_wait3A_569 = tpu.memref_slice %arg15[%add3A_544, %dma_wait3A_568] : memref<5120x128xf32, #tpu.memory_space<vmem_shared>> -> memref<80x128xf32, #tpu.memory_space<vmem_shared>>
      %dma_wait3A_570 = arith.constant 0 : i32
      %dma_wait3A_571 = tpu.memref_slice %arg15[%add3A_544, %dma_wait3A_570] : memref<5120x128xf32, #tpu.memory_space<vmem_shared>> -> memref<80x128xf32, #tpu.memory_space<vmem_shared>>
      tpu.wait_dma2 semaphore(%run_scoped3A : memref<!tpu.dma_semaphore, #tpu.memory_space<semaphore_mem>>) src(%dma_wait3A_571 : memref<80x128xf32, #tpu.memory_space<vmem_shared>>) dst(%arg8 : memref<80x128xf32, #tpu.memory_space<vmem>>)
      tpu.yield
    }) : () -> ()
    "tpu.region"() ({
      %run_scoped3A = tpu.sem_alloc : memref<!tpu.dma_semaphore, #tpu.memory_space<semaphore_mem>>
      %dma_start3A_564 = arith.constant 0 : i32
      %dma_start3A_565 = tpu.memref_slice %arg6[%add3A_549, %dma_start3A_564] : memref<10240x128xf32, #tpu.memory_space<hbm>> -> memref<80x128xf32, #tpu.memory_space<hbm>>
      %dma_start3A_566 = arith.constant 0 : i32
      %dma_start3A_567 = tpu.memref_slice %arg6[%add3A_549, %dma_start3A_566] : memref<10240x128xf32, #tpu.memory_space<hbm>> -> memref<80x128xf32, #tpu.memory_space<hbm>>
      tpu.enqueue_dma source(%arg8 : memref<80x128xf32, #tpu.memory_space<vmem>>) target(%dma_start3A_567 : memref<80x128xf32, #tpu.memory_space<hbm>>) target_semaphore(%run_scoped3A : memref<!tpu.dma_semaphore, #tpu.memory_space<semaphore_mem>>)
      %dma_wait3A_568 = arith.constant 0 : i32
      %dma_wait3A_569 = tpu.memref_slice %arg6[%add3A_549, %dma_wait3A_568] : memref<10240x128xf32, #tpu.memory_space<hbm>> -> memref<80x128xf32, #tpu.memory_space<hbm>>
      %dma_wait3A_570 = arith.constant 0 : i32
      %dma_wait3A_571 = tpu.memref_slice %arg6[%add3A_549, %dma_wait3A_570] : memref<10240x128xf32, #tpu.memory_space<hbm>> -> memref<80x128xf32, #tpu.memory_space<hbm>>
      tpu.wait_dma2 semaphore(%run_scoped3A : memref<!tpu.dma_semaphore, #tpu.memory_space<semaphore_mem>>) src(%arg8 : memref<80x128xf32, #tpu.memory_space<vmem>>) dst(%dma_wait3A_571 : memref<80x128xf32, #tpu.memory_space<hbm>>)
      tpu.yield
    }) : () -> ()
    "tpu.region"() ({
      %run_scoped3A = tpu.sem_alloc : memref<!tpu.dma_semaphore, #tpu.memory_space<semaphore_mem>>
      %dma_start3A_564 = arith.constant 0 : i32
      %dma_start3A_565 = tpu.memref_slice %arg16[%add3A_544, %dma_start3A_564] : memref<5120x128xf32, #tpu.memory_space<vmem_shared>> -> memref<80x128xf32, #tpu.memory_space<vmem_shared>>
      %dma_start3A_566 = arith.constant 0 : i32
      %dma_start3A_567 = tpu.memref_slice %arg16[%add3A_544, %dma_start3A_566] : memref<5120x128xf32, #tpu.memory_space<vmem_shared>> -> memref<80x128xf32, #tpu.memory_space<vmem_shared>>
      tpu.enqueue_dma source(%dma_start3A_567 : memref<80x128xf32, #tpu.memory_space<vmem_shared>>) target(%arg9 : memref<80x128xf32, #tpu.memory_space<vmem>>) target_semaphore(%run_scoped3A : memref<!tpu.dma_semaphore, #tpu.memory_space<semaphore_mem>>)
      %dma_wait3A_568 = arith.constant 0 : i32
      %dma_wait3A_569 = tpu.memref_slice %arg16[%add3A_544, %dma_wait3A_568] : memref<5120x128xf32, #tpu.memory_space<vmem_shared>> -> memref<80x128xf32, #tpu.memory_space<vmem_shared>>
      %dma_wait3A_570 = arith.constant 0 : i32
      %dma_wait3A_571 = tpu.memref_slice %arg16[%add3A_544, %dma_wait3A_570] : memref<5120x128xf32, #tpu.memory_space<vmem_shared>> -> memref<80x128xf32, #tpu.memory_space<vmem_shared>>
      tpu.wait_dma2 semaphore(%run_scoped3A : memref<!tpu.dma_semaphore, #tpu.memory_space<semaphore_mem>>) src(%dma_wait3A_571 : memref<80x128xf32, #tpu.memory_space<vmem_shared>>) dst(%arg9 : memref<80x128xf32, #tpu.memory_space<vmem>>)
      tpu.yield
    }) : () -> ()
    "tpu.region"() ({
      %run_scoped3A = tpu.sem_alloc : memref<!tpu.dma_semaphore, #tpu.memory_space<semaphore_mem>>
      %dma_start3A_564 = arith.constant 0 : i32
      %dma_start3A_565 = tpu.memref_slice %arg7[%add3A_549, %dma_start3A_564] : memref<10240x128xf32, #tpu.memory_space<hbm>> -> memref<80x128xf32, #tpu.memory_space<hbm>>
      %dma_start3A_566 = arith.constant 0 : i32
      %dma_start3A_567 = tpu.memref_slice %arg7[%add3A_549, %dma_start3A_566] : memref<10240x128xf32, #tpu.memory_space<hbm>> -> memref<80x128xf32, #tpu.memory_space<hbm>>
      tpu.enqueue_dma source(%arg9 : memref<80x128xf32, #tpu.memory_space<vmem>>) target(%dma_start3A_567 : memref<80x128xf32, #tpu.memory_space<hbm>>) target_semaphore(%run_scoped3A : memref<!tpu.dma_semaphore, #tpu.memory_space<semaphore_mem>>)
      %dma_wait3A_568 = arith.constant 0 : i32
      %dma_wait3A_569 = tpu.memref_slice %arg7[%add3A_549, %dma_wait3A_568] : memref<10240x128xf32, #tpu.memory_space<hbm>> -> memref<80x128xf32, #tpu.memory_space<hbm>>
      %dma_wait3A_570 = arith.constant 0 : i32
      %dma_wait3A_571 = tpu.memref_slice %arg7[%add3A_549, %dma_wait3A_570] : memref<10240x128xf32, #tpu.memory_space<hbm>> -> memref<80x128xf32, #tpu.memory_space<hbm>>
      tpu.wait_dma2 semaphore(%run_scoped3A : memref<!tpu.dma_semaphore, #tpu.memory_space<semaphore_mem>>) src(%arg9 : memref<80x128xf32, #tpu.memory_space<vmem>>) dst(%dma_wait3A_571 : memref<80x128xf32, #tpu.memory_space<hbm>>)
      tpu.yield
    }) : () -> ()
    %add3A_550 = arith.constant 160 : i32
    %add3A_551 = arith.addi %mul3A_0, %add3A_550 : i32
    %mul3A_552 = arith.constant 5120 : i32
    %mul3A_553 = arith.muli %arg0, %mul3A_552 : i32
    %add3A_554 = arith.addi %mul3A_553, %mul3A_0 : i32
    %add3A_555 = arith.constant 160 : i32
    %add3A_556 = arith.addi %add3A_554, %add3A_555 : i32
    "tpu.region"() ({
      %run_scoped3A = tpu.sem_alloc : memref<!tpu.dma_semaphore, #tpu.memory_space<semaphore_mem>>
      %dma_start3A_564 = arith.constant 0 : i32
      %dma_start3A_565 = tpu.memref_slice %arg15[%add3A_551, %dma_start3A_564] : memref<5120x128xf32, #tpu.memory_space<vmem_shared>> -> memref<80x128xf32, #tpu.memory_space<vmem_shared>>
      %dma_start3A_566 = arith.constant 0 : i32
      %dma_start3A_567 = tpu.memref_slice %arg15[%add3A_551, %dma_start3A_566] : memref<5120x128xf32, #tpu.memory_space<vmem_shared>> -> memref<80x128xf32, #tpu.memory_space<vmem_shared>>
      tpu.enqueue_dma source(%dma_start3A_567 : memref<80x128xf32, #tpu.memory_space<vmem_shared>>) target(%arg8 : memref<80x128xf32, #tpu.memory_space<vmem>>) target_semaphore(%run_scoped3A : memref<!tpu.dma_semaphore, #tpu.memory_space<semaphore_mem>>)
      %dma_wait3A_568 = arith.constant 0 : i32
      %dma_wait3A_569 = tpu.memref_slice %arg15[%add3A_551, %dma_wait3A_568] : memref<5120x128xf32, #tpu.memory_space<vmem_shared>> -> memref<80x128xf32, #tpu.memory_space<vmem_shared>>
      %dma_wait3A_570 = arith.constant 0 : i32
      %dma_wait3A_571 = tpu.memref_slice %arg15[%add3A_551, %dma_wait3A_570] : memref<5120x128xf32, #tpu.memory_space<vmem_shared>> -> memref<80x128xf32, #tpu.memory_space<vmem_shared>>
      tpu.wait_dma2 semaphore(%run_scoped3A : memref<!tpu.dma_semaphore, #tpu.memory_space<semaphore_mem>>) src(%dma_wait3A_571 : memref<80x128xf32, #tpu.memory_space<vmem_shared>>) dst(%arg8 : memref<80x128xf32, #tpu.memory_space<vmem>>)
      tpu.yield
    }) : () -> ()
    "tpu.region"() ({
      %run_scoped3A = tpu.sem_alloc : memref<!tpu.dma_semaphore, #tpu.memory_space<semaphore_mem>>
      %dma_start3A_564 = arith.constant 0 : i32
      %dma_start3A_565 = tpu.memref_slice %arg6[%add3A_556, %dma_start3A_564] : memref<10240x128xf32, #tpu.memory_space<hbm>> -> memref<80x128xf32, #tpu.memory_space<hbm>>
      %dma_start3A_566 = arith.constant 0 : i32
      %dma_start3A_567 = tpu.memref_slice %arg6[%add3A_556, %dma_start3A_566] : memref<10240x128xf32, #tpu.memory_space<hbm>> -> memref<80x128xf32, #tpu.memory_space<hbm>>
      tpu.enqueue_dma source(%arg8 : memref<80x128xf32, #tpu.memory_space<vmem>>) target(%dma_start3A_567 : memref<80x128xf32, #tpu.memory_space<hbm>>) target_semaphore(%run_scoped3A : memref<!tpu.dma_semaphore, #tpu.memory_space<semaphore_mem>>)
      %dma_wait3A_568 = arith.constant 0 : i32
      %dma_wait3A_569 = tpu.memref_slice %arg6[%add3A_556, %dma_wait3A_568] : memref<10240x128xf32, #tpu.memory_space<hbm>> -> memref<80x128xf32, #tpu.memory_space<hbm>>
      %dma_wait3A_570 = arith.constant 0 : i32
      %dma_wait3A_571 = tpu.memref_slice %arg6[%add3A_556, %dma_wait3A_570] : memref<10240x128xf32, #tpu.memory_space<hbm>> -> memref<80x128xf32, #tpu.memory_space<hbm>>
      tpu.wait_dma2 semaphore(%run_scoped3A : memref<!tpu.dma_semaphore, #tpu.memory_space<semaphore_mem>>) src(%arg8 : memref<80x128xf32, #tpu.memory_space<vmem>>) dst(%dma_wait3A_571 : memref<80x128xf32, #tpu.memory_space<hbm>>)
      tpu.yield
    }) : () -> ()
    "tpu.region"() ({
      %run_scoped3A = tpu.sem_alloc : memref<!tpu.dma_semaphore, #tpu.memory_space<semaphore_mem>>
      %dma_start3A_564 = arith.constant 0 : i32
      %dma_start3A_565 = tpu.memref_slice %arg16[%add3A_551, %dma_start3A_564] : memref<5120x128xf32, #tpu.memory_space<vmem_shared>> -> memref<80x128xf32, #tpu.memory_space<vmem_shared>>
      %dma_start3A_566 = arith.constant 0 : i32
      %dma_start3A_567 = tpu.memref_slice %arg16[%add3A_551, %dma_start3A_566] : memref<5120x128xf32, #tpu.memory_space<vmem_shared>> -> memref<80x128xf32, #tpu.memory_space<vmem_shared>>
      tpu.enqueue_dma source(%dma_start3A_567 : memref<80x128xf32, #tpu.memory_space<vmem_shared>>) target(%arg9 : memref<80x128xf32, #tpu.memory_space<vmem>>) target_semaphore(%run_scoped3A : memref<!tpu.dma_semaphore, #tpu.memory_space<semaphore_mem>>)
      %dma_wait3A_568 = arith.constant 0 : i32
      %dma_wait3A_569 = tpu.memref_slice %arg16[%add3A_551, %dma_wait3A_568] : memref<5120x128xf32, #tpu.memory_space<vmem_shared>> -> memref<80x128xf32, #tpu.memory_space<vmem_shared>>
      %dma_wait3A_570 = arith.constant 0 : i32
      %dma_wait3A_571 = tpu.memref_slice %arg16[%add3A_551, %dma_wait3A_570] : memref<5120x128xf32, #tpu.memory_space<vmem_shared>> -> memref<80x128xf32, #tpu.memory_space<vmem_shared>>
      tpu.wait_dma2 semaphore(%run_scoped3A : memref<!tpu.dma_semaphore, #tpu.memory_space<semaphore_mem>>) src(%dma_wait3A_571 : memref<80x128xf32, #tpu.memory_space<vmem_shared>>) dst(%arg9 : memref<80x128xf32, #tpu.memory_space<vmem>>)
      tpu.yield
    }) : () -> ()
    "tpu.region"() ({
      %run_scoped3A = tpu.sem_alloc : memref<!tpu.dma_semaphore, #tpu.memory_space<semaphore_mem>>
      %dma_start3A_564 = arith.constant 0 : i32
      %dma_start3A_565 = tpu.memref_slice %arg7[%add3A_556, %dma_start3A_564] : memref<10240x128xf32, #tpu.memory_space<hbm>> -> memref<80x128xf32, #tpu.memory_space<hbm>>
      %dma_start3A_566 = arith.constant 0 : i32
      %dma_start3A_567 = tpu.memref_slice %arg7[%add3A_556, %dma_start3A_566] : memref<10240x128xf32, #tpu.memory_space<hbm>> -> memref<80x128xf32, #tpu.memory_space<hbm>>
      tpu.enqueue_dma source(%arg9 : memref<80x128xf32, #tpu.memory_space<vmem>>) target(%dma_start3A_567 : memref<80x128xf32, #tpu.memory_space<hbm>>) target_semaphore(%run_scoped3A : memref<!tpu.dma_semaphore, #tpu.memory_space<semaphore_mem>>)
      %dma_wait3A_568 = arith.constant 0 : i32
      %dma_wait3A_569 = tpu.memref_slice %arg7[%add3A_556, %dma_wait3A_568] : memref<10240x128xf32, #tpu.memory_space<hbm>> -> memref<80x128xf32, #tpu.memory_space<hbm>>
      %dma_wait3A_570 = arith.constant 0 : i32
      %dma_wait3A_571 = tpu.memref_slice %arg7[%add3A_556, %dma_wait3A_570] : memref<10240x128xf32, #tpu.memory_space<hbm>> -> memref<80x128xf32, #tpu.memory_space<hbm>>
      tpu.wait_dma2 semaphore(%run_scoped3A : memref<!tpu.dma_semaphore, #tpu.memory_space<semaphore_mem>>) src(%arg9 : memref<80x128xf32, #tpu.memory_space<vmem>>) dst(%dma_wait3A_571 : memref<80x128xf32, #tpu.memory_space<hbm>>)
      tpu.yield
    }) : () -> ()
    %add3A_557 = arith.constant 240 : i32
    %add3A_558 = arith.addi %mul3A_0, %add3A_557 : i32
    %mul3A_559 = arith.constant 5120 : i32
    %mul3A_560 = arith.muli %arg0, %mul3A_559 : i32
    %add3A_561 = arith.addi %mul3A_560, %mul3A_0 : i32
    %add3A_562 = arith.constant 240 : i32
    %add3A_563 = arith.addi %add3A_561, %add3A_562 : i32
    "tpu.region"() ({
      %run_scoped3A = tpu.sem_alloc : memref<!tpu.dma_semaphore, #tpu.memory_space<semaphore_mem>>
      %dma_start3A_564 = arith.constant 0 : i32
      %dma_start3A_565 = tpu.memref_slice %arg15[%add3A_558, %dma_start3A_564] : memref<5120x128xf32, #tpu.memory_space<vmem_shared>> -> memref<80x128xf32, #tpu.memory_space<vmem_shared>>
      %dma_start3A_566 = arith.constant 0 : i32
      %dma_start3A_567 = tpu.memref_slice %arg15[%add3A_558, %dma_start3A_566] : memref<5120x128xf32, #tpu.memory_space<vmem_shared>> -> memref<80x128xf32, #tpu.memory_space<vmem_shared>>
      tpu.enqueue_dma source(%dma_start3A_567 : memref<80x128xf32, #tpu.memory_space<vmem_shared>>) target(%arg8 : memref<80x128xf32, #tpu.memory_space<vmem>>) target_semaphore(%run_scoped3A : memref<!tpu.dma_semaphore, #tpu.memory_space<semaphore_mem>>)
      %dma_wait3A_568 = arith.constant 0 : i32
      %dma_wait3A_569 = tpu.memref_slice %arg15[%add3A_558, %dma_wait3A_568] : memref<5120x128xf32, #tpu.memory_space<vmem_shared>> -> memref<80x128xf32, #tpu.memory_space<vmem_shared>>
      %dma_wait3A_570 = arith.constant 0 : i32
      %dma_wait3A_571 = tpu.memref_slice %arg15[%add3A_558, %dma_wait3A_570] : memref<5120x128xf32, #tpu.memory_space<vmem_shared>> -> memref<80x128xf32, #tpu.memory_space<vmem_shared>>
      tpu.wait_dma2 semaphore(%run_scoped3A : memref<!tpu.dma_semaphore, #tpu.memory_space<semaphore_mem>>) src(%dma_wait3A_571 : memref<80x128xf32, #tpu.memory_space<vmem_shared>>) dst(%arg8 : memref<80x128xf32, #tpu.memory_space<vmem>>)
      tpu.yield
    }) : () -> ()
    "tpu.region"() ({
      %run_scoped3A = tpu.sem_alloc : memref<!tpu.dma_semaphore, #tpu.memory_space<semaphore_mem>>
      %dma_start3A_564 = arith.constant 0 : i32
      %dma_start3A_565 = tpu.memref_slice %arg6[%add3A_563, %dma_start3A_564] : memref<10240x128xf32, #tpu.memory_space<hbm>> -> memref<80x128xf32, #tpu.memory_space<hbm>>
      %dma_start3A_566 = arith.constant 0 : i32
      %dma_start3A_567 = tpu.memref_slice %arg6[%add3A_563, %dma_start3A_566] : memref<10240x128xf32, #tpu.memory_space<hbm>> -> memref<80x128xf32, #tpu.memory_space<hbm>>
      tpu.enqueue_dma source(%arg8 : memref<80x128xf32, #tpu.memory_space<vmem>>) target(%dma_start3A_567 : memref<80x128xf32, #tpu.memory_space<hbm>>) target_semaphore(%run_scoped3A : memref<!tpu.dma_semaphore, #tpu.memory_space<semaphore_mem>>)
      %dma_wait3A_568 = arith.constant 0 : i32
      %dma_wait3A_569 = tpu.memref_slice %arg6[%add3A_563, %dma_wait3A_568] : memref<10240x128xf32, #tpu.memory_space<hbm>> -> memref<80x128xf32, #tpu.memory_space<hbm>>
      %dma_wait3A_570 = arith.constant 0 : i32
      %dma_wait3A_571 = tpu.memref_slice %arg6[%add3A_563, %dma_wait3A_570] : memref<10240x128xf32, #tpu.memory_space<hbm>> -> memref<80x128xf32, #tpu.memory_space<hbm>>
      tpu.wait_dma2 semaphore(%run_scoped3A : memref<!tpu.dma_semaphore, #tpu.memory_space<semaphore_mem>>) src(%arg8 : memref<80x128xf32, #tpu.memory_space<vmem>>) dst(%dma_wait3A_571 : memref<80x128xf32, #tpu.memory_space<hbm>>)
      tpu.yield
    }) : () -> ()
    "tpu.region"() ({
      %run_scoped3A = tpu.sem_alloc : memref<!tpu.dma_semaphore, #tpu.memory_space<semaphore_mem>>
      %dma_start3A_564 = arith.constant 0 : i32
      %dma_start3A_565 = tpu.memref_slice %arg16[%add3A_558, %dma_start3A_564] : memref<5120x128xf32, #tpu.memory_space<vmem_shared>> -> memref<80x128xf32, #tpu.memory_space<vmem_shared>>
      %dma_start3A_566 = arith.constant 0 : i32
      %dma_start3A_567 = tpu.memref_slice %arg16[%add3A_558, %dma_start3A_566] : memref<5120x128xf32, #tpu.memory_space<vmem_shared>> -> memref<80x128xf32, #tpu.memory_space<vmem_shared>>
      tpu.enqueue_dma source(%dma_start3A_567 : memref<80x128xf32, #tpu.memory_space<vmem_shared>>) target(%arg9 : memref<80x128xf32, #tpu.memory_space<vmem>>) target_semaphore(%run_scoped3A : memref<!tpu.dma_semaphore, #tpu.memory_space<semaphore_mem>>)
      %dma_wait3A_568 = arith.constant 0 : i32
      %dma_wait3A_569 = tpu.memref_slice %arg16[%add3A_558, %dma_wait3A_568] : memref<5120x128xf32, #tpu.memory_space<vmem_shared>> -> memref<80x128xf32, #tpu.memory_space<vmem_shared>>
      %dma_wait3A_570 = arith.constant 0 : i32
      %dma_wait3A_571 = tpu.memref_slice %arg16[%add3A_558, %dma_wait3A_570] : memref<5120x128xf32, #tpu.memory_space<vmem_shared>> -> memref<80x128xf32, #tpu.memory_space<vmem_shared>>
      tpu.wait_dma2 semaphore(%run_scoped3A : memref<!tpu.dma_semaphore, #tpu.memory_space<semaphore_mem>>) src(%dma_wait3A_571 : memref<80x128xf32, #tpu.memory_space<vmem_shared>>) dst(%arg9 : memref<80x128xf32, #tpu.memory_space<vmem>>)
      tpu.yield
    }) : () -> ()
    "tpu.region"() ({
      %run_scoped3A = tpu.sem_alloc : memref<!tpu.dma_semaphore, #tpu.memory_space<semaphore_mem>>
      %dma_start3A_564 = arith.constant 0 : i32
      %dma_start3A_565 = tpu.memref_slice %arg7[%add3A_563, %dma_start3A_564] : memref<10240x128xf32, #tpu.memory_space<hbm>> -> memref<80x128xf32, #tpu.memory_space<hbm>>
      %dma_start3A_566 = arith.constant 0 : i32
      %dma_start3A_567 = tpu.memref_slice %arg7[%add3A_563, %dma_start3A_566] : memref<10240x128xf32, #tpu.memory_space<hbm>> -> memref<80x128xf32, #tpu.memory_space<hbm>>
      tpu.enqueue_dma source(%arg9 : memref<80x128xf32, #tpu.memory_space<vmem>>) target(%dma_start3A_567 : memref<80x128xf32, #tpu.memory_space<hbm>>) target_semaphore(%run_scoped3A : memref<!tpu.dma_semaphore, #tpu.memory_space<semaphore_mem>>)
      %dma_wait3A_568 = arith.constant 0 : i32
      %dma_wait3A_569 = tpu.memref_slice %arg7[%add3A_563, %dma_wait3A_568] : memref<10240x128xf32, #tpu.memory_space<hbm>> -> memref<80x128xf32, #tpu.memory_space<hbm>>
      %dma_wait3A_570 = arith.constant 0 : i32
      %dma_wait3A_571 = tpu.memref_slice %arg7[%add3A_563, %dma_wait3A_570] : memref<10240x128xf32, #tpu.memory_space<hbm>> -> memref<80x128xf32, #tpu.memory_space<hbm>>
      tpu.wait_dma2 semaphore(%run_scoped3A : memref<!tpu.dma_semaphore, #tpu.memory_space<semaphore_mem>>) src(%arg9 : memref<80x128xf32, #tpu.memory_space<vmem>>) dst(%dma_wait3A_571 : memref<80x128xf32, #tpu.memory_space<hbm>>)
      tpu.yield
    }) : () -> ()
    return
  }
}

module attributes {stable_mosaic.version = 14 : i64} {
  func.func @_combine_body(%arg0: memref<10240x128xf32, #tpu.memory_space<vmem>>, %arg1: memref<10240x128xf32, #tpu.memory_space<vmem>>, %arg2: memref<10000x128xf32, #tpu.memory_space<vmem>>) attributes {dimension_semantics = [], scalar_prefetch = 0 : i64, scratch_operands = 0 : i64, tpu.core_type = #tpu.core_type<tc>} {
    %get3A = arith.constant 0 : index
    %get3A_0 = arith.constant 0 : index
    %get3A_1 = vector.load %arg0[%get3A, %get3A_0] : memref<10240x128xf32, #tpu.memory_space<vmem>>, vector<5000x128xf32>
    %get3A_2 = arith.constant 5120 : index
    %get3A_3 = arith.constant 0 : index
    %get3A_4 = vector.load %arg0[%get3A_2, %get3A_3] : memref<10240x128xf32, #tpu.memory_space<vmem>>, vector<5000x128xf32>
    %concatenate3A = tpu.concatenate %get3A_1, %get3A_4 in 0 : vector<5000x128xf32>, vector<5000x128xf32> -> vector<10000x128xf32>
    %get3A_5 = arith.constant 0 : index
    %get3A_6 = arith.constant 0 : index
    %get3A_7 = vector.load %arg1[%get3A_5, %get3A_6] : memref<10240x128xf32, #tpu.memory_space<vmem>>, vector<5000x1xf32>
    %get3A_8 = vector.shape_cast %get3A_7 : vector<5000x1xf32> to vector<5000xf32>
    %get3A_9 = arith.constant 5120 : index
    %get3A_10 = arith.constant 0 : index
    %get3A_11 = vector.load %arg1[%get3A_9, %get3A_10] : memref<10240x128xf32, #tpu.memory_space<vmem>>, vector<5000x1xf32>
    %get3A_12 = vector.shape_cast %get3A_11 : vector<5000x1xf32> to vector<5000xf32>
    %concatenate3A_13 = tpu.concatenate %get3A_8, %get3A_12 in 0 : vector<5000xf32>, vector<5000xf32> -> vector<10000xf32>
    %jit3A = arith.constant 1.000000e+00 : f32
    %max3A = vector.broadcast %jit3A : f32 to vector<10000xf32>
    %max3A_14 = arith.maximumf %max3A, %concatenate3A_13 : vector<10000xf32>
    %broadcast_in_dim3A = vector.shape_cast %max3A_14 : vector<10000xf32> to vector<10000x1xf32>
    %div3A = vector.broadcast %broadcast_in_dim3A : vector<10000x1xf32> to vector<10000x128xf32>
    %div3A_15 = arith.divf %concatenate3A, %div3A : vector<10000x128xf32>
    %swap3A = arith.constant 0 : index
    %swap3A_16 = arith.constant 0 : index
    %swap3A_17 = vector.load %arg2[%swap3A, %swap3A_16] : memref<10000x128xf32, #tpu.memory_space<vmem>>, vector<10000x128xf32>
    tpu.vector_store %arg2[%swap3A, %swap3A_16], %div3A_15 {strides = array<i32>} : memref<10000x128xf32, #tpu.memory_space<vmem>>, vector<10000x128xf32>,
    return
  }
}

</mosaic_0001>

<sc_bundles>
// kernel: kernel.4.cloned.1.call-start
scs
__scs_entry_jumppad:
0x0: {  	(pc) =	sbr.rel $0x88, $3  }
0x1: {  	(tag) =	ssettag $0x0;
	lr =	simm.s32 $0x1  }
0x2: {  	[smem:$0x3F9F] =	sst lr;
	_ =	strace $0xD0000000  }
0x3: {  	_ = 	snop  }
0x4: {  	_ = 	snop  }
0x5: {  	_ = 	snop  }
0x6: {  	_ = 	snop  }
0x7: {  	_ = 	snop  }
__scs_overlays_trampoline_lowered:
0x8: {  	[smem:$0x3FAE] =	sst s0  }
0x9: {  	[smem:$0x3FAF] =	sst s1  }
0xa: {  	[smem:$0x3FB0] =	sst s2  }
0xb: {  	[smem:$0x3FB1] =	sst s3  }
0xc: {  	[smem:$0x3FB2] =	sst s4  }
0xd: {  	[smem:$0x3FB3] =	sst s5  }
0xe: {  	[smem:$0x3FB4] =	sst s6  }
0xf: {  	[smem:$0x3FB5] =	sst s7  }
0x10: {  	[smem:$0x3FB6] =	sst s8  }
0x11: {  	[smem:$0x3FB7] =	sst s9;
	s0 =	simm.s32 @!p0 $0x0  }
0x12: {  	s1 =	sld [smem:$0x3F9D];
	s0 =	simm.s32 @p0 $0x1  }
0x13: {  	[smem:$0x3FB8] =	sst s0;
	s0 =	simm.s32 @!p1 $0x0  }
0x14: {  	s2 =	sld [smem:$0x3F9C];
	s0 =	simm.s32 @p1 $0x1  }
0x15: {  	[smem:$0x3FB9] =	sst s0;
	s0 =	simm.s32 @!p2 $0x0  }
0x16: {  	s3 =	sld [smem:$0x3FDB];
	s0 =	simm.s32 @p2 $0x1  }
0x17: {  	s4 =	simm.s32 $0x1BF5;
	[smem:$0x3FBB] =	sst s0  }
0x18: {  	s0 =	sld [smem:$0x3F9E];
	_ =	swait.ge [sflag:s4], $0x0  }
0x19: {  	s7 =	sld [smem:$0x3F9F]  }
0x1a: {  	s8 =	sadd.s32 $0xFFFFE003, lr  }
0x1b: {  	s9 =	sadd.s32 $0xFFFFFEF7, lr;
	s5 =	simm.s32 $0xFFFFFFFF;
	p2 =	slt.u32 s8, $0xFFFFF086  }
0x1c: {  	p1 =	slt.u32 s9, $0xF7A;
	s5 =	simm.s32 @!p2 $0x0  }
0x1d: {  	s5 =	simm.s32 @p1 $0x1;
	p0 =	seq.s32 s7, s2  }
0x1e: {  	s7 =	smul.u32 @!p0 $0xF7A, s2;
	p2 =	seq.s32 @!p0 s5, $0x0  }
0x1f: {  	s9 =	smul.u32 $0xF7A, s1;
	s8 =	simm.s32 @!p0 $0x1BF5;
	p2 =	por !p2, p0  }
0x20: {  	[sflag:s8] =	ssyncset.s32 @!p0 $0xFFFFF086;
	s6 =	sadd.s32 @!p0 s3, s7;
	s7 =	simm.s32 @!p0 $0x108  }
0x21: {  	s3 =	sadd.s32 s3, s9;
	s6 =	sadd.s32 @!p0 $0x88, s6;
	s7 =	simm.s32 @p2 $0x1082  }
0x22: {  	[simem:s7], [sflag:s8] =	dma.local @!p0 [hbm:s6], $0xF7A  }
0x23: {  	s9 =	sor.u32 $0xD0000000, s2;
	s6 =	simm.s32 $0x108;
	_ =	swait.ge @!p0 [sflag:s8], $0x0  }
0x24: {  	s3 =	sadd.s32 $0x88, s3;
	s6 =	simm.s32 @!p1 $0x1082;
	[sflag:s4] =	ssyncset.s32 $0xFFFFF086  }
0x25: {  	[simem:s6], [sflag:s4] =	dma.local [hbm:s3], $0xF7A  }
0x26: {  	[smem:$0x3F9F] =	sst s1;
	(tag) =	ssettag s2;
	_ =	strace s9  }
0x27: {  	s1 =	sld [smem:$0x3FAF]  }
0x28: {  	s2 =	sld [smem:$0x3FB0]  }
0x29: {  	s4 =	sld [smem:$0x3FB2]  }
0x2a: {  	p0 =	seq.s32 s5, $0x0;
	s5 =	sld [smem:$0x3FB3]  }
0x2b: {  	s6 =	sld [smem:$0x3FB4]  }
0x2c: {  	s7 =	sld [smem:$0x3FB5]  }
0x2d: {  	s3 =	simm.s32 $0x108;
	s8 =	sld [smem:$0x3FB6]  }
0x2e: {  	s3 =	simm.s32 @!p0 $0x1082;
	s9 =	sld [smem:$0x3FB7]  }
0x2f: {  	lr =	sadd.s32 s0, s3;
	s0 =	sld [smem:$0x3FAE]  }
0x30: {  	s3 =	sld [smem:$0x3FB1]  }
0x31: {  	[smem:$0x3FBA] =	sst s10  }
0x32: {  	s10 =	sld [smem:$0x3FB8];
	_ =	sdelay $0x3  }
0x33: {  	p0 =	seq.s32 s10, $0x1;
	s10 =	sld [smem:$0x3FBA];
	_ =	sdelay $0x3  }
0x34: {  	[smem:$0x3FBA] =	sst s10  }
0x35: {  	s10 =	sld [smem:$0x3FB9];
	_ =	sdelay $0x3  }
0x36: {  	p1 =	seq.s32 s10, $0x1;
	s10 =	sld [smem:$0x3FBA];
	_ =	sdelay $0x3  }
0x37: {  	[smem:$0x3FBA] =	sst s10  }
0x38: {  	s10 =	sld [smem:$0x3FBB]  }
0x39: {  	_ = 	snop;
	(pc) =	sbr.ind lr, $3  }
0x3a: {  	_ = 	snop  }
0x3b: {  	_ = 	snop  }
0x3c: {  	p2 =	seq.s32 s10, $0x1;
	s10 =	sld [smem:$0x3FBA]  }
0x3d: {  	_ =	shalt  }
0x3e: {  	_ =	shalt  }
0x3f: {  	_ =	shalt  }
0x40: {  	_ =	shalt  }
0x41: {  	_ =	shalt  }
0x42: {  	_ =	shalt  }
0x43: {  	_ =	shalt  }
0x44: {  	_ =	shalt  }
0x45: {  	_ =	shalt  }
0x46: {  	_ =	shalt  }
0x47: {  	_ =	shalt  }
0x48: {  	_ =	shalt  }
0x49: {  	_ =	shalt  }
0x4a: {  	_ =	shalt  }
0x4b: {  	_ =	shalt  }
0x4c: {  	_ =	shalt  }
0x4d: {  	_ =	shalt  }
0x4e: {  	_ =	shalt  }
0x4f: {  	_ =	shalt  }
0x50: {  	_ =	shalt  }
0x51: {  	_ =	shalt  }
0x52: {  	_ =	shalt  }
0x53: {  	_ =	shalt  }
0x54: {  	_ =	shalt  }
0x55: {  	_ =	shalt  }
0x56: {  	_ =	shalt  }
0x57: {  	_ =	shalt  }
0x58: {  	_ =	shalt  }
0x59: {  	_ =	shalt  }
0x5a: {  	_ =	shalt  }
0x5b: {  	_ =	shalt  }
0x5c: {  	_ =	shalt  }
0x5d: {  	_ =	shalt  }
0x5e: {  	_ =	shalt  }
0x5f: {  	_ =	shalt  }
0x60: {  	_ =	shalt  }
0x61: {  	_ =	shalt  }
0x62: {  	_ =	shalt  }
0x63: {  	_ =	shalt  }
0x64: {  	_ =	shalt  }
0x65: {  	_ =	shalt  }
0x66: {  	_ =	shalt  }
0x67: {  	_ =	shalt  }
0x68: {  	_ =	shalt  }
0x69: {  	_ =	shalt  }
0x6a: {  	_ =	shalt  }
0x6b: {  	_ =	shalt  }
0x6c: {  	_ =	shalt  }
0x6d: {  	_ =	shalt  }
0x6e: {  	_ =	shalt  }
0x6f: {  	_ =	shalt  }
0x70: {  	_ =	shalt  }
0x71: {  	_ =	shalt  }
0x72: {  	_ =	shalt  }
0x73: {  	_ =	shalt  }
0x74: {  	_ =	shalt  }
0x75: {  	_ =	shalt  }
0x76: {  	_ =	shalt  }
0x77: {  	_ =	shalt  }
0x78: {  	_ =	shalt  }
0x79: {  	_ =	shalt  }
0x7a: {  	_ =	shalt  }
0x7b: {  	_ =	shalt  }
0x7c: {  	_ =	shalt  }
0x7d: {  	_ =	shalt  }
0x7e: {  	_ =	shalt  }
0x7f: {  	_ =	shalt  }
0x80: {  	_ =	shalt  }
0x81: {  	_ =	shalt  }
0x82: {  	_ =	shalt  }
0x83: {  	_ =	shalt  }
0x84: {  	_ =	shalt  }
0x85: {  	_ =	shalt  }
0x86: {  	_ =	shalt  }
0x87: {  	_ =	shalt  }
.Lfunc_end0:
.L_simem_size_0:
called_computation_lowered:
.L_overlay_start_0:
0x88: {  	s2 =	sld [smem:$0x3FD9]  }
0x89: {  	s3 =	sld [smem:$0x3FFE];
	_ =	sdelay $0x1  }
0x8a: {  	s1 =	srdreg.scid  }
0x8b: {  	s0 =	sand.u32 $0x1, s1  }
0x8c: {  	s17 =	sshll.u32 s0, $0xA;
	s2 =	sadd.s32 s3, s2  }
0x8d: {  	s2 =	sadd.s32 s2, s17  }
0x8e: {  	[smem:$0x3FC6] =	sst s2  }
0x8f: {  	_ = 	snop  }
0x90: {  	s2 =	sld [smem:$0x3FC9]  }
0x91: {  	s18 =	sld [smem:$0x3FC8]  }
0x92: {  	s4 =	sld [smem:$0x3FD0];
	(tm) =	ssettm $0x1  }
0x93: {  	s5 =	sld [smem:$0x3FFB];
	_ =	sdelay $0x3  }
0x94: {  	_ =	strace s5  }
0x95: {  	s5 =	sld [smem:$0x3FFC];
	_ =	sdelay $0x3  }
0x96: {  	_ =	strace s5  }
0x97: {  	s5 =	sld [smem:$0x3FFD];
	_ =	sdelay $0x3  }
0x98: {  	_ =	strace s5  }
0x99: {  	_ =	strace $0x8FFFFFFF  }
0x9a: {  	s19 =	sld [smem:$0x3FDB];
	_ =	sdelay $0x1  }
0x9b: {  	s6 =	simm.s32 $_scs_section_size  }
0x9c: {  	s7 =	simm.s32 $_size__tile_overlayer_lowered;
	s8 =	simm.s32 $_tile_overlayer_lowered  }
0x9d: {  	s22 =	simm.s32 $0x1BFF;
	s21 =	sshll.u32 s8, $0x1;
	s5 =	sadd.s32 s6, s19  }
0x9e: {  	s9 =	simm.s32 $0x0;
	s20 =	sshll.u32 s7, $0x1;
	s7 =	sadd.s32 s21, s5  }
0x9f: {  	[timem:s9], [sflag:s22] =	dma.local [hbm:s7], s20  }
0xa0: {  	_ =	swait.ge [sflag:s22], s20  }
0xa1: {  	s6 =	ssub.s32 $0x0, s20;
	[sflag:s22] =	ssyncset.done $0x0  }
0xa2: {  	[sflag:s22] =	ssyncadd.s32 s6;
	_ =	sdelay $0x1  }
0xa3: {  	s23 =	simm.s32 $0x1B8B  }
0xa4: {  	_ =	swait.ge [sflag:s23], $0x1  }
0xa5: {  	[sflag:s23] =	ssyncset.done $0x0  }
0xa6: {  	s25 =	simm.s32 $0x1B8E;
	s24 =	sld [smem:$0x3FFE];
	[sflag:s23] =	ssyncadd.s32 $0xFFFFFFFF  }
0xa7: {  	s26 =	simm.s32 $execute0_lowered;
	[smem:$0x3FD2] =	sst s25  }
0xa8: {  	s7 =	sshll.u32 s26, $0x1;
	_ =	strace $0x80000046;
	[dreg:$0x1] =	wrdreg $0xFFFFFFFF  }
0xa9: {  	s28 =	simm.s32 $_size_execute0_lowered;
	s5 =	sadd.s32 s5, s7;
	[dreg:$0x0] =	wrdreg $0x0  }
0xaa: {  	s7 =	sshll.u32 s28, $0x1;
	[dreg:$0x2] =	wrdreg s5  }
0xab: {  	[dreg:$0x3] =	wrdreg s7  }
0xac: {  	[dreg:$0x4] =	wrdreg $0xC0  }
0xad: {  	_ =	task [dreg:s9], $0x5FFFF  }
0xae: {  	[dreg:$0x1] =	wrdreg $0xFFFFFFFF  }
0xaf: {  	[dreg:$0x0] =	wrdreg $0x60  }
0xb0: {  	[dreg:$0x2] =	wrdreg s2  }
0xb1: {  	[dreg:$0x3] =	wrdreg s18  }
0xb2: {  	[dreg:$0x4] =	wrdreg s4  }
0xb3: {  	[dreg:$0x5] =	wrdreg s24  }
0xb4: {  	[dreg:$0x6] =	wrdreg $0xA1800  }
0xb5: {  	[dreg:$0x7] =	wrdreg $0x141800  }
0xb6: {  	[dreg:$0x8] =	wrdreg $0x9  }
0xb7: {  	_ =	task.clear_ibuf [dreg:s9], $0x9FFFF;
	_ =	strace $0x90000046  }
0xb8: {  	s29 =	simm.s32 $0x9;
	_ =	strace $0x80000048  }
0xb9: {  	_ =	swait.ge [sflag:s29], $0x1  }
0xba: {  	[sflag:s29] =	ssyncadd.s32 $0xFFFFFFFF  }
0xbb: {  	_ =	strace $0x90000048  }
0xbc: {  	_ =	sfence  }
0xbd: {  	s30 =	sld [smem:$0x0];
	_ =	sdelay $0x2  }
0xbe: {  	s31 =	sshll.u32 s1, $0xD;
	s1 =	sshrl.u32 s1, $0x2  }
0xbf: {  	s3 =	sand.u32 $0x4000, s31;
	s1 =	sadd.s32 s1, s30  }
0xc0: {  	s0 =	sor.u32 s3, s0;
	s1 =	sshll.u32 s1, $0x11  }
0xc1: {  	s0 =	sor.u32 s1, s0  }
0xc2: {  	s0 =	sadd.s32 $0x8F2B, s0  }
0xc3: {  	[sflag:s0] =	ssyncadd.remote.s32 $0x1  }
0xc4: {  	_ =	sfence.sel $0xFFFF  }
0xc5: {  	[dreg:$0x0] =	wrdreg $0xFFFFFFFF;
	(pc) =	sbr.abs _section_cstart, $3  }
0xc6: {  	[dreg:$0x1] =	wrdreg $0xFFFFFFFF  }
0xc7: {  	_ =	task.clear_ibuf [dreg:s9], $0x2FFFF;
	_ =	strace $0x9FFFFFFF  }
0xc8: {  	(tm) =	ssettm $0x7FFFFFFF  }
0xc9: {  	_ =	shalt  }
tec
execute0_lowered:
.L_overlay_start_1:
0x0: {  	(tag) =	ssettag $0x1  }
0x1: {  	s0 =	rddreg [dreg:$0x0]  }
0x2: {  	s1 =	rddreg [dreg:$0x1]  }
0x3: {  	s3 =	rddreg [dreg:$0x3];
	s16 =	stileid.u32  }
0x4: {  	s4 =	srdreg.scid;
	s7 =	smul.u32 $0x4E20, s16  }
0x5: {  	s2 =	rddreg [dreg:$0x4];
	s4 =	sand.u32 $0x1, s4;
	s10 =	smul.u32 $0x4E200, s16  }
0x6: {  	s5 =	sadd.s32 $0x1200, s3;
	s31 =	smul.u32 $0x140, s16;
	s6 =	ssub.s32 $0x2, s4  }
0x7: {  	s8 =	sadd.s32 $0x29200, s3;
	s13 =	smul.u32 $0x1400, s4;
	s9 =	sshrl.u32 s6, $0x1  }
0x8: {  	s11 =	sadd.s32 $0x50, s7;
	s17 =	sadd.s32 s0, s10;
	s12 =	sadd.s32 $0xA0, s7  }
0x9: {  	s20 =	sadd.s32 $0x4DD0, s7;
	s14 =	smin.u32 s7, $0x49390;
	s6 =	ssub.s32 s6, s9  }
0xa: {  	s18 =	sshll.u32 s11, $0x4;
	s19 =	sshll.u32 s12, $0x4;
	s15 =	sshll.u32 s20, $0x4  }
0xb: {  	s14 =	sadd.s32 $0x4E20, s14;
	s9 =	sadd.s32 s31, s13;
	s10 =	sadd.s32 s0, s18  }
0xc: {  	s21 =	sadd.s32 s0, s15;
	s22 =	sshll.u32 s14, $0x4;
	[dreg:$0x8] =	wrdreg s10  }
0xd: {  	s9 =	sshll.u32 s9, $0x4;
	s15 =	simm.s32 $0x0;
	[dreg:$0xa] =	wrdreg s21  }
0xe: {  	s13 =	sshrl.u32 s14, $0x3;
	s10 =	sadd.s32 s0, s19;
	[smem:$0x7FF] =	sst s15  }
0xf: {  	s14 =	smul.u32 $0xA000, s16;
	s0 =	sadd.s32 s0, s22;
	[dreg:$0x9] =	wrdreg s10  }
0x10: {  	s18 =	smul.u32 $0x1388, s4;
	s23 =	sadd.s32 s5, s9;
	[dreg:$0xb] =	wrdreg s0  }
0x11: {  	s24 =	sadd.s32 $0x500, s9;
	s25 =	sadd.s32 s8, s9;
	[dreg:$0xc] =	wrdreg s23  }
0x12: {  	s28 =	sadd.s32 $0xA00, s9;
	[dreg:$0xd] =	wrdreg s25;
	s26 =	sadd.s32 s5, s24  }
0x13: {  	s30 =	sadd.s32 $0xF00, s9;
	s0 =	sadd.s32 s8, s24;
	[dreg:$0xe] =	wrdreg s26  }
0x14: {  	s29 =	sadd.s32 s5, s28;
	s31 =	sadd.s32 s8, s28;
	[dreg:$0xf] =	wrdreg s0  }
0x15: {  	s5 =	sadd.s32 s5, s30;
	s10 =	sshrl.u32 s20, $0x3;
	[dreg:$0x10] =	wrdreg s29  }
0x16: {  	s22 =	sadd.s32 s14, s2;
	s28 =	sadd.s32 $0x5000, s14;
	[dreg:$0x11] =	wrdreg s31  }
0x17: {  	s24 =	sadd.s32 $0x1900, s17;
	v0 =	vmov s18;
	s18 =	simm.s32 $0x0;
	[dreg:$0x12] =	wrdreg s5  }
0x18: {  	s0 =	sadd.s32 s8, s30;
	s5 =	sshrl.u32 s7, $0x3;
	s7 =	sshrl.u32 s11, $0x3  }
0x19: {  	s8 =	sshrl.u32 s12, $0x3;
	s11 =	rddreg [dreg:$0x5];
	s12 =	smul.u32 $0x9C4, s16  }
0x1a: {  	s16 =	sadd.s32 $0xC00, s3;
	s26 =	sadd.s32 $0x2800, s14;
	s29 =	sadd.s32 $0x7800, s14  }
0x1b: {  	s30 =	sadd.s32 s28, s2;
	s31 =	smax.u32 s6, $0x1;
	s6 =	simm.s32 $0x7800  }
0x1c: {  	s3 =	simm.s32 $0x50;
	[dreg:$0x13] =	wrdreg s0;
	s0 =	sadd.s32 s1, s5  }
0x1d: {  	s9 =	sadd.s32 s1, s8;
	s20 =	sadd.s32 s26, s2;
	s21 =	sadd.s32 s26, s11  }
0x1e: {  	s25 =	sadd.s32 s14, s11;
	s19 =	sadd.s32 s28, s11;
	s26 =	sadd.s32 s29, s2  }
0x1f: {  	s4 =	smov.u32 s30;
	s5 =	simm.s32 $0x7;
	[dreg:$0x14] =	wrdreg s0  }
0x20: {  	s8 =	simm.s32 $0x2800;
	s0 =	sadd.s32 s1, s7;
	[dreg:$0x16] =	wrdreg s9  }
0x21: {  	s14 =	simm.s32 $0x4;
	s7 =	sadd.s32 s1, s13;
	[dreg:$0x15] =	wrdreg s0  }
0x22: {  	s23 =	sadd.s32 s12, s1;
	s0 =	sadd.s32 s1, s10;
	[dreg:$0x18] =	wrdreg s7  }
0x23: {  	s9 =	simm.s32 $0x7880;
	s12 =	simm.s32 $0x7900;
	[dreg:$0x17] =	wrdreg s0  }
0x24: {  	s13 =	simm.s32 $0x3;
	_ =	strace $0x80000047;
	[dreg:$0x19] =	wrdreg s16  }
0x25: {  	s7 =	simm.s32 $0x1;
	s10 =	simm.s32 $0x2;
	[dreg:$0x1b] =	wrdreg s31  }
0x26: {  	s0 =	sadd.s32 s29, s11;
	s11 =	simm.s32 $0x5000;
	[dreg:$0x7] =	wrdreg s17  }
0x27: {  	s16 =	simm.s32 $0x5;
	s17 =	simm.s32 $0x6;
	[dreg:$0x1a] =	wrdreg s0  }
.LBB2_1:
0x28: {  	s1 =	rddreg [dreg:$0x2]  }
0x29: {  	[tilespmem:s15], [sflag:$0x7] =	stream.linear.gather [hbm4b:s1+s15], $0x2800, $0x38;
	[tilespmem:$0x1E180] =	vst v63  }
0x2a: {  	_ =	swait.ge [sflag:s5], $0x2800  }
0x2b: {  	[sflag:s5] =	ssyncset.done $0x0  }
0x2c: {  	s28 =	simm.s32 $0x7980;
	s1 =	rddreg [dreg:$0x19];
	[sflag:s5] =	ssyncadd.s32 $0xFFFFD800  }
0x2d: {  	[tilespmem:s28], [sflag:$0x7] =	stream.linear.gather [hbm4b:s1+s15], $0x2800, $0x38;
	[tilespmem:$0x1E180] =	vst v63  }
0x2e: {  	_ =	swait.ge [sflag:s5], $0x2800  }
0x2f: {  	[sflag:s5] =	ssyncset.done $0x0  }
0x30: {  	[sflag:s5] =	ssyncadd.s32 $0xFFFFD800  }
0x31: {  	[spmem:s22] =	stream.linear.scatter [tilespmem:s15], [sflag:$0x7], $0x2800, $0x38;
	[tilespmem:$0x1E180] =	vst v63  }
0x32: {  	_ =	swait.ge [sflag:s5], $0x2800  }
0x33: {  	[sflag:s5] =	ssyncset.done $0x0  }
0x34: {  	[sflag:s5] =	ssyncadd.s32 $0xFFFFD800  }
0x35: {  	[spmem:s25] =	stream.linear.scatter [tilespmem:s15], [sflag:$0x7], $0x2800, $0x38;
	[tilespmem:$0x1E180] =	vst v63  }
0x36: {  	_ =	swait.ge [sflag:s5], $0x2800  }
0x37: {  	[sflag:s5] =	ssyncset.done $0x0  }
0x38: {  	[sflag:s5] =	ssyncadd.s32 $0xFFFFD800  }
0x39: {  	[spmem:s20] =	stream.linear.scatter [tilespmem:s15], [sflag:$0x7], $0x2800, $0x38;
	[tilespmem:$0x1E180] =	vst v63  }
0x3a: {  	_ =	swait.ge [sflag:s5], $0x2800  }
0x3b: {  	[sflag:s5] =	ssyncset.done $0x0  }
0x3c: {  	[sflag:s5] =	ssyncadd.s32 $0xFFFFD800  }
0x3d: {  	[spmem:s21] =	stream.linear.scatter [tilespmem:s15], [sflag:$0x7], $0x2800, $0x38;
	[tilespmem:$0x1E180] =	vst v63  }
0x3e: {  	_ =	swait.ge [sflag:s5], $0x2800  }
0x3f: {  	[sflag:s5] =	ssyncset.done $0x0  }
0x40: {  	[sflag:s5] =	ssyncadd.s32 $0xFFFFD800  }
0x41: {  	[spmem:s4] =	stream.linear.scatter [tilespmem:s15], [sflag:$0x7], $0x2800, $0x38;
	[tilespmem:$0x1E180] =	vst v63  }
0x42: {  	_ =	swait.ge [sflag:s5], $0x2800  }
0x43: {  	[sflag:s5] =	ssyncset.done $0x0  }
0x44: {  	[sflag:s5] =	ssyncadd.s32 $0xFFFFD800  }
0x45: {  	[spmem:s19] =	stream.linear.scatter [tilespmem:s15], [sflag:$0x7], $0x2800, $0x38;
	[tilespmem:$0x1E180] =	vst v63  }
0x46: {  	_ =	swait.ge [sflag:s5], $0x2800  }
0x47: {  	[sflag:s5] =	ssyncset.done $0x0  }
0x48: {  	s1 =	smov.u32 s26;
	[sflag:s5] =	ssyncadd.s32 $0xFFFFD800  }
0x49: {  	[spmem:s1] =	stream.linear.scatter [tilespmem:s15], [sflag:$0x7], $0x2800, $0x38;
	[tilespmem:$0x1E180] =	vst v63  }
0x4a: {  	_ =	swait.ge [sflag:s5], $0x2800  }
0x4b: {  	[sflag:s5] =	ssyncset.done $0x0  }
0x4c: {  	s29 =	smov.u32 s22;
	s22 =	smov.u32 s0;
	[sflag:s5] =	ssyncadd.s32 $0xFFFFD800  }
0x4d: {  	[spmem:s22] =	stream.linear.scatter [tilespmem:s15], [sflag:$0x7], $0x2800, $0x38;
	[tilespmem:$0x1E180] =	vst v63  }
0x4e: {  	_ =	swait.ge [sflag:s5], $0x2800  }
0x4f: {  	[sflag:s5] =	ssyncset.done $0x0  }
0x50: {  	[sflag:s5] =	ssyncadd.s32 $0xFFFFD800  }
0x51: {  	[bflag:$0x0] =	sbarrier.arrive $0xFFFF  }
0x52: {  	s30 =	smov.u32 s25;
	s25 =	rddreg [dreg:$0x7]  }
0x53: {  	[tilespmem:s15], [sflag:$0x1] =	stream.linear.gather [hbm4b:s25+s15], $0x2800, $0x38;
	[tilespmem:$0x1E180] =	vst v63  }
0x54: {  	s31 =	smov.u32 s4;
	s4 =	rddreg [dreg:$0x14]  }
0x55: {  	[tilespmem:s6], [sflag:$0x1] =	stream.linear.gather [hbm4b:s4+s15], $0x50, $0x38;
	[tilespmem:$0x1E180] =	vst v63  }
0x56: {  	_ =	swait.ge [sflag:s7], $0x2800  }
0x57: {  	[sflag:s7] =	ssyncset.done $0x0  }
0x58: {  	[sflag:s7] =	ssyncadd.s32 $0xFFFFD800  }
0x59: {  	_ =	swait.ge [sflag:s7], $0x50  }
0x5a: {  	[sflag:s7] =	ssyncset.done $0x0  }
0x5b: {  	[sflag:s7] =	ssyncadd.s32 $0xFFFFFFB0  }
0x5c: {  	v1 =	vld [tilespmem:$0x7800]  }
0x5d: {  	v2 =	vld [tilespmem:$0x7810]  }
0x5e: {  	v3 =	vld [tilespmem:$0x7820]  }
0x5f: {  	v4 =	vld [tilespmem:$0x7830]  }
0x60: {  	v5 =	vld [tilespmem:$0x7840]  }
0x61: {  	v1 =	vsub.s32 v1, v0  }
0x62: {  	v2 =	vsub.s32 v2, v0;
	v1 =	vmin.u32 v1, $0x1388  }
0x63: {  	[tilespmem:$0x7800] =	vst v1;
	v1 =	vmin.u32 v2, $0x1388;
	v2 =	vsub.s32 v3, v0  }
0x64: {  	[tilespmem:$0x7810] =	vst v1;
	v1 =	vmin.u32 v2, $0x1388;
	v2 =	vsub.s32 v4, v0  }
0x65: {  	[tilespmem:$0x7820] =	vst v1;
	v1 =	vmin.u32 v2, $0x1388;
	v2 =	vsub.s32 v5, v0  }
0x66: {  	[tilespmem:$0x7830] =	vst v1;
	v1 =	vmin.u32 v2, $0x1388  }
0x67: {  	s26 =	smov.u32 s20;
	s20 =	rddreg [dreg:$0x8];
	[tilespmem:$0x7840] =	vst v1  }
0x68: {  	[tilespmem:s8], [sflag:$0x2] =	stream.linear.gather [hbm4b:s20+s15], $0x2800, $0x38;
	[tilespmem:$0x1E180] =	vst v63  }
0x69: {  	s28 =	smov.u32 s21;
	s21 =	rddreg [dreg:$0x15]  }
0x6a: {  	[tilespmem:s9], [sflag:$0x2] =	stream.linear.gather [hbm4b:s21+s15], $0x50, $0x38;
	[tilespmem:$0x1E180] =	vst v63  }
0x6b: {  	_ = 	snop  }
0x6c: {  	[spmem:s2] =	stream.indirect.scatter.add.f32 [tilespmem:s15], [sflag:$0x4], $0x80, s6, s3, $0xb8;
	[tilespmem:$0x1E180] =	vst v63  }
0x6d: {  	_ =	swait.ge [sflag:s10], $0x2800  }
0x6e: {  	[sflag:s10] =	ssyncset.done $0x0  }
0x6f: {  	[sflag:s10] =	ssyncadd.s32 $0xFFFFD800  }
0x70: {  	_ =	swait.ge [sflag:s10], $0x50  }
0x71: {  	[sflag:s10] =	ssyncset.done $0x0  }
0x72: {  	[sflag:s10] =	ssyncadd.s32 $0xFFFFFFB0  }
0x73: {  	v1 =	vld [tilespmem:$0x7880]  }
0x74: {  	v2 =	vld [tilespmem:$0x7890]  }
0x75: {  	v3 =	vld [tilespmem:$0x78A0]  }
0x76: {  	v58 =	vld [tilespmem:$0x78B0]  }
0x77: {  	v59 =	vld [tilespmem:$0x78C0]  }
0x78: {  	v1 =	vsub.s32 v1, v0  }
0x79: {  	v2 =	vsub.s32 v2, v0;
	v1 =	vmin.u32 v1, $0x1388  }
0x7a: {  	[tilespmem:$0x7880] =	vst v1;
	v1 =	vmin.u32 v2, $0x1388;
	v2 =	vsub.s32 v3, v0  }
0x7b: {  	[tilespmem:$0x7890] =	vst v1;
	v1 =	vmin.u32 v2, $0x1388;
	v2 =	vsub.s32 v58, v0  }
0x7c: {  	[tilespmem:$0x78A0] =	vst v1;
	v1 =	vmin.u32 v2, $0x1388;
	v2 =	vsub.s32 v59, v0  }
0x7d: {  	[tilespmem:$0x78B0] =	vst v1;
	v1 =	vmin.u32 v2, $0x1388  }
0x7e: {  	s22 =	rddreg [dreg:$0x9];
	[tilespmem:$0x78C0] =	vst v1  }
0x7f: {  	[tilespmem:s11], [sflag:$0x3] =	stream.linear.gather [hbm4b:s22+s15], $0x2800, $0x38;
	[tilespmem:$0x1E180] =	vst v63  }
0x80: {  	s25 =	rddreg [dreg:$0x16]  }
0x81: {  	[tilespmem:s12], [sflag:$0x3] =	stream.linear.gather [hbm4b:s25+s15], $0x50, $0x38;
	[tilespmem:$0x1E180] =	vst v63  }
0x82: {  	_ = 	snop  }
0x83: {  	[spmem:s2] =	stream.indirect.scatter.add.f32 [tilespmem:s8], [sflag:$0x5], $0x80, s9, s3, $0xb8;
	[tilespmem:$0x1E180] =	vst v63  }
0x84: {  	_ =	swait.ge [sflag:s13], $0x2800  }
0x85: {  	[sflag:s13] =	ssyncset.done $0x0  }
0x86: {  	[sflag:s13] =	ssyncadd.s32 $0xFFFFD800  }
0x87: {  	_ =	swait.ge [sflag:s13], $0x50  }
0x88: {  	[sflag:s13] =	ssyncset.done $0x0  }
0x89: {  	[sflag:s13] =	ssyncadd.s32 $0xFFFFFFB0  }
0x8a: {  	v1 =	vld [tilespmem:$0x7940]  }
0x8b: {  	v2 =	vld [tilespmem:$0x7910]  }
0x8c: {  	v3 =	vld [tilespmem:$0x7930]  }
0x8d: {  	v60 =	vld [tilespmem:$0x7920]  }
0x8e: {  	v61 =	vld [tilespmem:$0x7900]  }
0x8f: {  	v1 =	vsub.s32 v1, v0  }
0x90: {  	v2 =	vsub.s32 v2, v0;
	v1 =	vmin.u32 v1, $0x1388  }
0x91: {  	v3 =	vsub.s32 v3, v0;
	v2 =	vmin.u32 v2, $0x1388;
	[tilespmem:$0x7940] =	vst v1  }
0x92: {  	[tilespmem:$0x7910] =	vst v2;
	v1 =	vsub.s32 v60, v0;
	v2 =	vmin.u32 v3, $0x1388  }
0x93: {  	v3 =	vsub.s32 v61, v0;
	v1 =	vmin.u32 v1, $0x1388;
	[tilespmem:$0x7930] =	vst v2  }
0x94: {  	v2 =	vmin.u32 v3, $0x1388;
	[tilespmem:$0x7920] =	vst v1  }
0x95: {  	[tilespmem:$0x7900] =	vst v2  }
0x96: {  	_ =	swait.ge [sflag:s14], $0x2800  }
0x97: {  	[sflag:s14] =	ssyncset.done $0x0  }
0x98: {  	s4 =	sadd.s32 $0xFFFFF600, s24;
	s21 =	sadd.s32 $0x0, s23;
	[sflag:s14] =	ssyncadd.s32 $0xFFFFD800  }
0x99: {  	[tilespmem:s15], [sflag:$0x1] =	stream.linear.gather [hbm4b:s4+s15], $0x2800, $0x38;
	[tilespmem:$0x1E180] =	vst v63  }
0x9a: {  	s20 =	sadd.s32 $0x1E, s21  }
0x9b: {  	[tilespmem:s6], [sflag:$0x1] =	stream.linear.gather [hbm4b:s20+s15], $0x50, $0x38;
	[tilespmem:$0x1E180] =	vst v63  }
0x9c: {  	_ = 	snop  }
0x9d: {  	[spmem:s2] =	stream.indirect.scatter.add.f32 [tilespmem:s11], [sflag:$0x6], $0x80, s12, s3, $0xb8;
	[tilespmem:$0x1E180] =	vst v63  }
0x9e: {  	_ =	swait.ge [sflag:s7], $0x2800  }
0x9f: {  	[sflag:s7] =	ssyncset.done $0x0  }
0xa0: {  	[sflag:s7] =	ssyncadd.s32 $0xFFFFD800  }
0xa1: {  	_ =	swait.ge [sflag:s7], $0x50  }
0xa2: {  	[sflag:s7] =	ssyncset.done $0x0  }
0xa3: {  	[sflag:s7] =	ssyncadd.s32 $0xFFFFFFB0  }
0xa4: {  	v1 =	vld [tilespmem:$0x7800]  }
0xa5: {  	v2 =	vld [tilespmem:$0x7810]  }
0xa6: {  	v3 =	vld [tilespmem:$0x7820]  }
0xa7: {  	v62 =	vld [tilespmem:$0x7830]  }
0xa8: {  	v63 =	vld [tilespmem:$0x7840]  }
0xa9: {  	v1 =	vsub.s32 v1, v0  }
0xaa: {  	v2 =	vsub.s32 v2, v0;
	v1 =	vmin.u32 v1, $0x1388  }
0xab: {  	[tilespmem:$0x7800] =	vst v1;
	v1 =	vmin.u32 v2, $0x1388;
	v2 =	vsub.s32 v3, v0  }
0xac: {  	[tilespmem:$0x7810] =	vst v1;
	v1 =	vmin.u32 v2, $0x1388;
	v2 =	vsub.s32 v62, v0  }
0xad: {  	[tilespmem:$0x7820] =	vst v1;
	v1 =	vmin.u32 v2, $0x1388;
	v2 =	vsub.s32 v63, v0  }
0xae: {  	[tilespmem:$0x7830] =	vst v1;
	v1 =	vmin.u32 v2, $0x1388  }
0xaf: {  	[tilespmem:$0x7840] =	vst v1  }
0xb0: {  	_ =	swait.ge [sflag:s16], $0x2800  }
0xb1: {  	[sflag:s16] =	ssyncset.done $0x0  }
0xb2: {  	s22 =	sadd.s32 $0xFFFFFB00, s24;
	[sflag:s16] =	ssyncadd.s32 $0xFFFFD800  }
0xb3: {  	[tilespmem:s8], [sflag:$0x2] =	stream.linear.gather [hbm4b:s22+s15], $0x2800, $0x38;
	[tilespmem:$0x1E180] =	vst v63  }
0xb4: {  	s25 =	sadd.s32 $0x28, s21  }
0xb5: {  	[tilespmem:s9], [sflag:$0x2] =	stream.linear.gather [hbm4b:s25+s15], $0x50, $0x38;
	[tilespmem:$0x1E180] =	vst v63  }
0xb6: {  	_ = 	snop  }
0xb7: {  	[spmem:s2] =	stream.indirect.scatter.add.f32 [tilespmem:s15], [sflag:$0x4], $0x80, s6, s3, $0xb8;
	[tilespmem:$0x1E180] =	vst v63  }
0xb8: {  	_ =	swait.ge [sflag:s10], $0x2800  }
0xb9: {  	[sflag:s10] =	ssyncset.done $0x0  }
0xba: {  	[sflag:s10] =	ssyncadd.s32 $0xFFFFD800  }
0xbb: {  	_ =	swait.ge [sflag:s10], $0x50  }
0xbc: {  	s0 =	smov.u32 s1;
	s4 =	smov.u32 s24;
	[sflag:s10] =	ssyncset.done $0x0  }
0xbd: {  	s20 =	smov.u32 s24;
	s22 =	simm.s32 $0x1E;
	[sflag:s10] =	ssyncadd.s32 $0xFFFFFFB0  }
.LBB2_2:
0xbe: {  	p0 =	sne.s32 s22, $0x97E  }
0xbf: {  	v1 =	vld [tilespmem:$0x78A0];
	s20 =	sadd.s32 $0xF00, s20;
	s1 =	smov.u32 s22;
	s22 =	sadd.s32 $0x1E, s22  }
0xc0: {  	v2 =	vld [tilespmem:$0x7890]  }
0xc1: {  	v3 =	vld [tilespmem:$0x78C0]  }
0xc2: {  	v4 =	vld [tilespmem:$0x78B0]  }
0xc3: {  	v5 =	vld [tilespmem:$0x7880]  }
0xc4: {  	v1 =	vsub.s32 v1, v0  }
0xc5: {  	v2 =	vsub.s32 v2, v0;
	v1 =	vmin.u32 v1, $0x1388  }
0xc6: {  	v2 =	vmin.u32 v2, $0x1388;
	[tilespmem:$0x78A0] =	vst v1;
	v1 =	vsub.s32 v3, v0  }
0xc7: {  	[tilespmem:$0x7890] =	vst v2;
	v2 =	vsub.s32 v4, v0;
	v1 =	vmin.u32 v1, $0x1388  }
0xc8: {  	v3 =	vsub.s32 v5, v0;
	v2 =	vmin.u32 v2, $0x1388;
	[tilespmem:$0x78C0] =	vst v1  }
0xc9: {  	v1 =	vmin.u32 v3, $0x1388;
	[tilespmem:$0x78B0] =	vst v2  }
0xca: {  	[tilespmem:$0x7880] =	vst v1  }
0xcb: {  	_ =	swait.ge [sflag:s17], $0x2800  }
0xcc: {  	[sflag:s17] =	ssyncset.done $0x0  }
0xcd: {  	[sflag:s17] =	ssyncadd.s32 $0xFFFFD800  }
0xce: {  	[tilespmem:s11], [sflag:$0x3] =	stream.linear.gather [hbm4b:s4+s15], $0x2800, $0x38;
	[tilespmem:$0x1E180] =	vst v63  }
0xcf: {  	s21 =	sadd.s32 $0x32, s21;
	s4 =	smov.u32 s20  }
0xd0: {  	[tilespmem:s12], [sflag:$0x3] =	stream.linear.gather [hbm4b:s21+s15], $0x50, $0x38;
	[tilespmem:$0x1E180] =	vst v63  }
0xd1: {  	_ = 	snop  }
0xd2: {  	[spmem:s2] =	stream.indirect.scatter.add.f32 [tilespmem:s8], [sflag:$0x5], $0x80, s9, s3, $0xb8;
	[tilespmem:$0x1E180] =	vst v63  }
0xd3: {  	_ =	swait.ge [sflag:s13], $0x2800  }
0xd4: {  	[sflag:s13] =	ssyncset.done $0x0  }
0xd5: {  	[sflag:s13] =	ssyncadd.s32 $0xFFFFD800  }
0xd6: {  	_ =	swait.ge [sflag:s13], $0x50  }
0xd7: {  	[sflag:s13] =	ssyncset.done $0x0  }
0xd8: {  	[sflag:s13] =	ssyncadd.s32 $0xFFFFFFB0  }
0xd9: {  	v1 =	vld [tilespmem:$0x7940]  }
0xda: {  	v2 =	vld [tilespmem:$0x7910]  }
0xdb: {  	v3 =	vld [tilespmem:$0x7930]  }
0xdc: {  	v4 =	vld [tilespmem:$0x7920]  }
0xdd: {  	v5 =	vld [tilespmem:$0x7900]  }
0xde: {  	v1 =	vsub.s32 v1, v0  }
0xdf: {  	v2 =	vsub.s32 v2, v0;
	v1 =	vmin.u32 v1, $0x1388  }
0xe0: {  	v2 =	vmin.u32 v2, $0x1388;
	v3 =	vsub.s32 v3, v0;
	[tilespmem:$0x7940] =	vst v1  }
0xe1: {  	[tilespmem:$0x7910] =	vst v2;
	v1 =	vsub.s32 v4, v0;
	v2 =	vmin.u32 v3, $0x1388  }
0xe2: {  	v3 =	vsub.s32 v5, v0;
	v1 =	vmin.u32 v1, $0x1388;
	[tilespmem:$0x7930] =	vst v2  }
0xe3: {  	v2 =	vmin.u32 v3, $0x1388;
	[tilespmem:$0x7920] =	vst v1  }
0xe4: {  	[tilespmem:$0x7900] =	vst v2  }
0xe5: {  	_ =	swait.ge [sflag:s14], $0x2800  }
0xe6: {  	[sflag:s14] =	ssyncset.done $0x0  }
0xe7: {  	s25 =	sadd.s32 $0xFFFFF600, s20;
	s21 =	sadd.s32 s1, s23;
	[sflag:s14] =	ssyncadd.s32 $0xFFFFD800  }
0xe8: {  	[tilespmem:s15], [sflag:$0x1] =	stream.linear.gather [hbm4b:s25+s15], $0x2800, $0x38;
	[tilespmem:$0x1E180] =	vst v63  }
0xe9: {  	s1 =	sadd.s32 $0x1E, s21  }
0xea: {  	[tilespmem:s6], [sflag:$0x1] =	stream.linear.gather [hbm4b:s1+s15], $0x50, $0x38;
	[tilespmem:$0x1E180] =	vst v63  }
0xeb: {  	_ = 	snop  }
0xec: {  	[spmem:s2] =	stream.indirect.scatter.add.f32 [tilespmem:s11], [sflag:$0x6], $0x80, s12, s3, $0xb8;
	[tilespmem:$0x1E180] =	vst v63  }
0xed: {  	_ =	swait.ge [sflag:s7], $0x2800  }
0xee: {  	[sflag:s7] =	ssyncset.done $0x0  }
0xef: {  	[sflag:s7] =	ssyncadd.s32 $0xFFFFD800  }
0xf0: {  	_ =	swait.ge [sflag:s7], $0x50  }
0xf1: {  	[sflag:s7] =	ssyncset.done $0x0  }
0xf2: {  	[sflag:s7] =	ssyncadd.s32 $0xFFFFFFB0  }
0xf3: {  	v1 =	vld [tilespmem:$0x7800]  }
0xf4: {  	v2 =	vld [tilespmem:$0x7810]  }
0xf5: {  	v3 =	vld [tilespmem:$0x7820]  }
0xf6: {  	v4 =	vld [tilespmem:$0x7830]  }
0xf7: {  	v5 =	vld [tilespmem:$0x7840]  }
0xf8: {  	v1 =	vsub.s32 v1, v0  }
0xf9: {  	v1 =	vmin.u32 v1, $0x1388;
	v2 =	vsub.s32 v2, v0  }
0xfa: {  	[tilespmem:$0x7800] =	vst v1;
	v1 =	vmin.u32 v2, $0x1388;
	v2 =	vsub.s32 v3, v0  }
0xfb: {  	[tilespmem:$0x7810] =	vst v1;
	v1 =	vmin.u32 v2, $0x1388;
	v2 =	vsub.s32 v4, v0  }
0xfc: {  	[tilespmem:$0x7820] =	vst v1;
	v1 =	vmin.u32 v2, $0x1388;
	v2 =	vsub.s32 v5, v0  }
0xfd: {  	[tilespmem:$0x7830] =	vst v1;
	v1 =	vmin.u32 v2, $0x1388  }
0xfe: {  	[tilespmem:$0x7840] =	vst v1  }
0xff: {  	_ =	swait.ge [sflag:s16], $0x2800  }
0x100: {  	[sflag:s16] =	ssyncset.done $0x0  }
0x101: {  	s1 =	sadd.s32 $0xFFFFFB00, s20;
	[sflag:s16] =	ssyncadd.s32 $0xFFFFD800  }
0x102: {  	[tilespmem:s8], [sflag:$0x2] =	stream.linear.gather [hbm4b:s1+s15], $0x2800, $0x38;
	[tilespmem:$0x1E180] =	vst v63  }
0x103: {  	s1 =	sadd.s32 $0x28, s21  }
0x104: {  	[tilespmem:s9], [sflag:$0x2] =	stream.linear.gather [hbm4b:s1+s15], $0x50, $0x38;
	[tilespmem:$0x1E180] =	vst v63  }
0x105: {  	_ = 	snop  }
0x106: {  	[spmem:s2] =	stream.indirect.scatter.add.f32 [tilespmem:s15], [sflag:$0x4], $0x80, s6, s3, $0xb8;
	[tilespmem:$0x1E180] =	vst v63  }
0x107: {  	_ =	swait.ge [sflag:s10], $0x2800  }
.Ltmp0:
0x108: {  	[sflag:s10] =	ssyncset.done $0x0;
	(pc) =	sbr.rel @p0 .LBB2_2-.Ltmp0, $4  }
0x109: {  	[sflag:s10] =	ssyncadd.s32 $0xFFFFD800  }
0x10a: {  	_ =	swait.ge [sflag:s10], $0x50  }
0x10b: {  	[sflag:s10] =	ssyncset.done $0x0  }
0x10c: {  	[sflag:s10] =	ssyncadd.s32 $0xFFFFFFB0  }
0x10d: {  	v1 =	vld [tilespmem:$0x78A0]  }
0x10e: {  	v2 =	vld [tilespmem:$0x7890]  }
0x10f: {  	v3 =	vld [tilespmem:$0x78C0]  }
0x110: {  	v4 =	vld [tilespmem:$0x78B0]  }
0x111: {  	v5 =	vld [tilespmem:$0x7880]  }
0x112: {  	v1 =	vsub.s32 v1, v0  }
0x113: {  	v2 =	vsub.s32 v2, v0;
	v1 =	vmin.u32 v1, $0x1388  }
0x114: {  	v2 =	vmin.u32 v2, $0x1388;
	[tilespmem:$0x78A0] =	vst v1;
	v1 =	vsub.s32 v3, v0  }
0x115: {  	[tilespmem:$0x7890] =	vst v2;
	v2 =	vsub.s32 v4, v0;
	v1 =	vmin.u32 v1, $0x1388  }
0x116: {  	v3 =	vsub.s32 v5, v0;
	v2 =	vmin.u32 v2, $0x1388;
	[tilespmem:$0x78C0] =	vst v1  }
0x117: {  	v1 =	vmin.u32 v3, $0x1388;
	[tilespmem:$0x78B0] =	vst v2  }
0x118: {  	[tilespmem:$0x7880] =	vst v1  }
0x119: {  	_ =	swait.ge [sflag:s17], $0x2800  }
0x11a: {  	[sflag:s17] =	ssyncset.done $0x0  }
0x11b: {  	[sflag:s17] =	ssyncadd.s32 $0xFFFFD800  }
0x11c: {  	[tilespmem:s11], [sflag:$0x3] =	stream.linear.gather [hbm4b:s4+s15], $0x2800, $0x38;
	[tilespmem:$0x1E180] =	vst v63  }
0x11d: {  	s1 =	sadd.s32 $0x32, s21  }
0x11e: {  	[tilespmem:s12], [sflag:$0x3] =	stream.linear.gather [hbm4b:s1+s15], $0x50, $0x38;
	[tilespmem:$0x1E180] =	vst v63  }
0x11f: {  	_ = 	snop  }
0x120: {  	[spmem:s2] =	stream.indirect.scatter.add.f32 [tilespmem:s8], [sflag:$0x5], $0x80, s9, s3, $0xb8;
	[tilespmem:$0x1E180] =	vst v63  }
0x121: {  	_ =	swait.ge [sflag:s13], $0x2800  }
0x122: {  	[sflag:s13] =	ssyncset.done $0x0  }
0x123: {  	[sflag:s13] =	ssyncadd.s32 $0xFFFFD800  }
0x124: {  	_ =	swait.ge [sflag:s13], $0x50  }
0x125: {  	[sflag:s13] =	ssyncset.done $0x0  }
0x126: {  	[sflag:s13] =	ssyncadd.s32 $0xFFFFFFB0  }
0x127: {  	v1 =	vld [tilespmem:$0x7900]  }
0x128: {  	v2 =	vld [tilespmem:$0x7910]  }
0x129: {  	v3 =	vld [tilespmem:$0x7920]  }
0x12a: {  	v60 =	vld [tilespmem:$0x7930]  }
0x12b: {  	v61 =	vld [tilespmem:$0x7940]  }
0x12c: {  	v1 =	vsub.s32 v1, v0  }
0x12d: {  	v2 =	vsub.s32 v2, v0;
	v1 =	vmin.u32 v1, $0x1388  }
0x12e: {  	[tilespmem:$0x7900] =	vst v1;
	v1 =	vmin.u32 v2, $0x1388;
	v2 =	vsub.s32 v3, v0  }
0x12f: {  	[tilespmem:$0x7910] =	vst v1;
	v1 =	vmin.u32 v2, $0x1388;
	v2 =	vsub.s32 v60, v0  }
0x130: {  	[tilespmem:$0x7920] =	vst v1;
	v1 =	vmin.u32 v2, $0x1388;
	v2 =	vsub.s32 v61, v0  }
0x131: {  	[tilespmem:$0x7930] =	vst v1;
	v1 =	vmin.u32 v2, $0x1388  }
0x132: {  	[tilespmem:$0x7940] =	vst v1  }
0x133: {  	_ =	swait.ge [sflag:s14], $0x2800  }
0x134: {  	[sflag:s14] =	ssyncset.done $0x0  }
0x135: {  	s4 =	rddreg [dreg:$0xa];
	[sflag:s14] =	ssyncadd.s32 $0xFFFFD800  }
0x136: {  	[tilespmem:s15], [sflag:$0x1] =	stream.linear.gather [hbm4b:s4+s15], $0x2800, $0x38;
	[tilespmem:$0x1E180] =	vst v63  }
0x137: {  	s20 =	rddreg [dreg:$0x17]  }
0x138: {  	[tilespmem:s6], [sflag:$0x1] =	stream.linear.gather [hbm4b:s20+s15], $0x50, $0x38;
	[tilespmem:$0x1E180] =	vst v63  }
0x139: {  	_ = 	snop  }
0x13a: {  	[spmem:s2] =	stream.indirect.scatter.add.f32 [tilespmem:s11], [sflag:$0x6], $0x80, s12, s3, $0xb8;
	[tilespmem:$0x1E180] =	vst v63  }
0x13b: {  	_ =	swait.ge [sflag:s7], $0x2800  }
0x13c: {  	[sflag:s7] =	ssyncset.done $0x0  }
0x13d: {  	[sflag:s7] =	ssyncadd.s32 $0xFFFFD800  }
0x13e: {  	_ =	swait.ge [sflag:s7], $0x50  }
0x13f: {  	[sflag:s7] =	ssyncset.done $0x0  }
0x140: {  	[sflag:s7] =	ssyncadd.s32 $0xFFFFFFB0  }
0x141: {  	v1 =	vld [tilespmem:$0x7800]  }
0x142: {  	v2 =	vld [tilespmem:$0x7810]  }
0x143: {  	v3 =	vld [tilespmem:$0x7820]  }
0x144: {  	v62 =	vld [tilespmem:$0x7830]  }
0x145: {  	v63 =	vld [tilespmem:$0x7840]  }
0x146: {  	v1 =	vsub.s32 v1, v0  }
0x147: {  	v2 =	vsub.s32 v2, v0;
	v1 =	vmin.u32 v1, $0x1388  }
0x148: {  	[tilespmem:$0x7800] =	vst v1;
	v1 =	vmin.u32 v2, $0x1388;
	v2 =	vsub.s32 v3, v0  }
0x149: {  	[tilespmem:$0x7810] =	vst v1;
	v1 =	vmin.u32 v2, $0x1388;
	v2 =	vsub.s32 v62, v0  }
0x14a: {  	[tilespmem:$0x7820] =	vst v1;
	v1 =	vmin.u32 v2, $0x1388;
	v2 =	vsub.s32 v63, v0  }
0x14b: {  	[tilespmem:$0x7830] =	vst v1;
	v1 =	vmin.u32 v2, $0x1388  }
0x14c: {  	[tilespmem:$0x7840] =	vst v1  }
0x14d: {  	_ =	swait.ge [sflag:s16], $0x2800  }
0x14e: {  	[sflag:s16] =	ssyncset.done $0x0  }
0x14f: {  	s21 =	rddreg [dreg:$0xb];
	[sflag:s16] =	ssyncadd.s32 $0xFFFFD800  }
0x150: {  	[tilespmem:s8], [sflag:$0x2] =	stream.linear.gather [hbm4b:s21+s15], $0x2800, $0x38;
	[tilespmem:$0x1E180] =	vst v63  }
0x151: {  	s22 =	rddreg [dreg:$0x18]  }
0x152: {  	[tilespmem:s9], [sflag:$0x2] =	stream.linear.gather [hbm4b:s22+s15], $0x50, $0x38;
	[tilespmem:$0x1E180] =	vst v63  }
0x153: {  	_ = 	snop  }
0x154: {  	[spmem:s2] =	stream.indirect.scatter.add.f32 [tilespmem:s15], [sflag:$0x4], $0x80, s6, s3, $0xb8;
	[tilespmem:$0x1E180] =	vst v63  }
0x155: {  	_ =	swait.ge [sflag:s17], $0x2800  }
0x156: {  	[sflag:s17] =	ssyncset.done $0x0  }
0x157: {  	[sflag:s17] =	ssyncadd.s32 $0xFFFFD800  }
0x158: {  	_ =	swait.ge [sflag:s14], $0x2800  }
0x159: {  	[sflag:s14] =	ssyncset.done $0x0  }
0x15a: {  	[sflag:s14] =	ssyncadd.s32 $0xFFFFD800  }
0x15b: {  	_ =	swait.ge [sflag:s10], $0x2800  }
0x15c: {  	[sflag:s10] =	ssyncset.done $0x0  }
0x15d: {  	[sflag:s10] =	ssyncadd.s32 $0xFFFFD800  }
0x15e: {  	_ =	swait.ge [sflag:s10], $0x50  }
0x15f: {  	[sflag:s10] =	ssyncset.done $0x0  }
0x160: {  	[sflag:s10] =	ssyncadd.s32 $0xFFFFFFB0  }
0x161: {  	[bflag:$0x0] =	sbarrier.arrive $0xFFFF  }
0x162: {  	[tilespmem:s15], [sflag:$0x7] =	stream.linear.gather [spmem:s29], $0x2800, $0x38;
	[tilespmem:$0x1E180] =	vst v63  }
0x163: {  	_ =	swait.ge [sflag:s5], $0x2800  }
0x164: {  	[sflag:s5] =	ssyncset.done $0x0  }
0x165: {  	s25 =	rddreg [dreg:$0xc];
	[sflag:s5] =	ssyncadd.s32 $0xFFFFD800  }
0x166: {  	[hbm4b:s25+s15] =	stream.linear.scatter [tilespmem:s15], [sflag:$0x7], $0x2800, $0x38;
	[tilespmem:$0x1E180] =	vst v63  }
0x167: {  	_ =	swait.ge [sflag:s5], $0x2800  }
0x168: {  	[sflag:s5] =	ssyncset.done $0x0  }
0x169: {  	[sflag:s5] =	ssyncadd.s32 $0xFFFFD800  }
0x16a: {  	[tilespmem:s8], [sflag:$0x7] =	stream.linear.gather [spmem:s30], $0x2800, $0x38;
	[tilespmem:$0x1E180] =	vst v63  }
0x16b: {  	_ =	swait.ge [sflag:s5], $0x2800  }
0x16c: {  	[sflag:s5] =	ssyncset.done $0x0  }
0x16d: {  	s22 =	smov.u32 s29;
	s29 =	rddreg [dreg:$0xd];
	[sflag:s5] =	ssyncadd.s32 $0xFFFFD800  }
0x16e: {  	[hbm4b:s29+s15] =	stream.linear.scatter [tilespmem:s8], [sflag:$0x7], $0x2800, $0x38;
	[tilespmem:$0x1E180] =	vst v63  }
0x16f: {  	_ =	swait.ge [sflag:s5], $0x2800  }
0x170: {  	[sflag:s5] =	ssyncset.done $0x0  }
0x171: {  	[sflag:s5] =	ssyncadd.s32 $0xFFFFD800  }
0x172: {  	[tilespmem:s15], [sflag:$0x7] =	stream.linear.gather [spmem:s26], $0x2800, $0x38;
	[tilespmem:$0x1E180] =	vst v63  }
0x173: {  	_ =	swait.ge [sflag:s5], $0x2800  }
0x174: {  	[sflag:s5] =	ssyncset.done $0x0  }
0x175: {  	s25 =	smov.u32 s30;
	s30 =	rddreg [dreg:$0xe];
	[sflag:s5] =	ssyncadd.s32 $0xFFFFD800  }
0x176: {  	[hbm4b:s30+s15] =	stream.linear.scatter [tilespmem:s15], [sflag:$0x7], $0x2800, $0x38;
	[tilespmem:$0x1E180] =	vst v63  }
0x177: {  	_ =	swait.ge [sflag:s5], $0x2800  }
0x178: {  	[sflag:s5] =	ssyncset.done $0x0  }
0x179: {  	[sflag:s5] =	ssyncadd.s32 $0xFFFFD800  }
0x17a: {  	[tilespmem:s8], [sflag:$0x7] =	stream.linear.gather [spmem:s28], $0x2800, $0x38;
	[tilespmem:$0x1E180] =	vst v63  }
0x17b: {  	_ =	swait.ge [sflag:s5], $0x2800  }
0x17c: {  	[sflag:s5] =	ssyncset.done $0x0  }
0x17d: {  	s4 =	rddreg [dreg:$0xf];
	[sflag:s5] =	ssyncadd.s32 $0xFFFFD800  }
0x17e: {  	[hbm4b:s4+s15] =	stream.linear.scatter [tilespmem:s8], [sflag:$0x7], $0x2800, $0x38;
	[tilespmem:$0x1E180] =	vst v63  }
0x17f: {  	_ =	swait.ge [sflag:s5], $0x2800  }
0x180: {  	[sflag:s5] =	ssyncset.done $0x0  }
0x181: {  	[sflag:s5] =	ssyncadd.s32 $0xFFFFD800  }
0x182: {  	[tilespmem:s15], [sflag:$0x7] =	stream.linear.gather [spmem:s31], $0x2800, $0x38;
	[tilespmem:$0x1E180] =	vst v63  }
0x183: {  	_ =	swait.ge [sflag:s5], $0x2800  }
0x184: {  	[sflag:s5] =	ssyncset.done $0x0  }
0x185: {  	s20 =	smov.u32 s26;
	s26 =	rddreg [dreg:$0x10];
	[sflag:s5] =	ssyncadd.s32 $0xFFFFD800  }
0x186: {  	[hbm4b:s26+s15] =	stream.linear.scatter [tilespmem:s15], [sflag:$0x7], $0x2800, $0x38;
	[tilespmem:$0x1E180] =	vst v63  }
0x187: {  	_ =	swait.ge [sflag:s5], $0x2800  }
0x188: {  	[sflag:s5] =	ssyncset.done $0x0  }
0x189: {  	[sflag:s5] =	ssyncadd.s32 $0xFFFFD800  }
0x18a: {  	[tilespmem:s8], [sflag:$0x7] =	stream.linear.gather [spmem:s19], $0x2800, $0x38;
	[tilespmem:$0x1E180] =	vst v63  }
0x18b: {  	_ =	swait.ge [sflag:s5], $0x2800  }
0x18c: {  	[sflag:s5] =	ssyncset.done $0x0  }
0x18d: {  	s21 =	smov.u32 s28;
	s28 =	rddreg [dreg:$0x11];
	[sflag:s5] =	ssyncadd.s32 $0xFFFFD800  }
0x18e: {  	[hbm4b:s28+s15] =	stream.linear.scatter [tilespmem:s8], [sflag:$0x7], $0x2800, $0x38;
	[tilespmem:$0x1E180] =	vst v63  }
0x18f: {  	_ =	swait.ge [sflag:s5], $0x2800  }
0x190: {  	[sflag:s5] =	ssyncset.done $0x0  }
0x191: {  	[sflag:s5] =	ssyncadd.s32 $0xFFFFD800  }
0x192: {  	[tilespmem:s15], [sflag:$0x7] =	stream.linear.gather [spmem:s0], $0x2800, $0x38;
	[tilespmem:$0x1E180] =	vst v63  }
0x193: {  	_ =	swait.ge [sflag:s5], $0x2800  }
0x194: {  	[sflag:s5] =	ssyncset.done $0x0  }
0x195: {  	s29 =	rddreg [dreg:$0x12];
	[sflag:s5] =	ssyncadd.s32 $0xFFFFD800  }
0x196: {  	[hbm4b:s29+s15] =	stream.linear.scatter [tilespmem:s15], [sflag:$0x7], $0x2800, $0x38;
	[tilespmem:$0x1E180] =	vst v63  }
0x197: {  	_ =	swait.ge [sflag:s5], $0x2800  }
0x198: {  	[sflag:s5] =	ssyncset.done $0x0  }
0x199: {  	s26 =	smov.u32 s0;
	s0 =	rddreg [dreg:$0x1a];
	[sflag:s5] =	ssyncadd.s32 $0xFFFFD800  }
0x19a: {  	[tilespmem:s8], [sflag:$0x7] =	stream.linear.gather [spmem:s0], $0x2800, $0x38;
	[tilespmem:$0x1E180] =	vst v63  }
0x19b: {  	_ =	swait.ge [sflag:s5], $0x2800  }
0x19c: {  	[sflag:s5] =	ssyncset.done $0x0  }
0x19d: {  	s30 =	rddreg [dreg:$0x13];
	[sflag:s5] =	ssyncadd.s32 $0xFFFFD800  }
0x19e: {  	[hbm4b:s30+s15] =	stream.linear.scatter [tilespmem:s8], [sflag:$0x7], $0x2800, $0x38;
	[tilespmem:$0x1E180] =	vst v63  }
0x19f: {  	_ =	swait.ge [sflag:s5], $0x2800  }
0x1a0: {  	s18 =	sadd.s32 $0x1, s18;
	s4 =	smov.u32 s31;
	s31 =	rddreg [dreg:$0x1b]  }
0x1a1: {  	p0 =	sne.s32 s18, s31  }
.Ltmp1:
0x1a2: {  	_ = 	snop;
	(pc) =	sbr.rel @p0 .LBB2_1-.Ltmp1, $3  }
0x1a3: {  	_ =	sdelay $0x1  }
0x1a4: {  	[sflag:s5] =	ssyncset.done $0x0  }
0x1a5: {  	[sflag:s5] =	ssyncadd.s32 $0xFFFFD800  }
0x1a6: {  	_ =	sfence.sel $0x180000  }
0x1a7: {  	[bflag:$0x0] =	sbarrier.arrive $0xFFFF  }
0x1a8: {  	_ =	strace $0x90000047  }
0x1a9: {  	s0 =	stileid.u32;
	[bflag:$0x2] =	sbarrier.arrive $0xFFFF  }
0x1aa: {  	p0 =	sne.s32 s0, $0x0;
	s0 =	rddreg [dreg:$0x6]  }
0x1ab: {  	s0 =	sadd.s32 @!p0 $0x100000, s0  }
0x1ac: {  	[sflag:s0] =	ssyncadd.tile.s32 @!p0 $0x1;
	_ =	shalt  }
.Lfunc_end2:
_tile_overlayer_lowered:
.L_overlay_start_2:
0x1ad: {  	(tag) =	ssettag $0x2  }
0x1ae: {  	s0 =	rddreg [dreg:$0x0];
	s2 =	stileid.u32  }
0x1af: {  	s1 =	rddreg [dreg:$0x1];
	p0 =	sne.s32 s2, $0x0  }
0x1b0: {  	s3 =	rddreg [dreg:$0x2];
	[bflag:$0x3] =	sbarrier.arrive $0xFFFF;
	s2 =	simm.s32 @!p0 $0x1C07  }
0x1b1: {  	[timem:s3], [sflag:s2] =	dma.local @!p0 [hbm:s0], s1  }
0x1b2: {  	s0 =	simm.s32 @!p0 $0x7  }
0x1b3: {  	_ =	swait.ge @!p0 [sflag:s0], s1  }
0x1b4: {  	s1 =	ssub.s32 @!p0 $0x0, s1;
	[sflag:s0] =	ssyncset.done @!p0 $0x0  }
0x1b5: {  	[sflag:s0] =	ssyncadd.s32 @!p0 s1  }
0x1b6: {  	[bflag:$0x3] =	sbarrier.arrive $0xFFFF  }
0x1b7: {  	_ =	shalt  }

</sc_bundles>
